<compile_context>
chip_gen: v7x
topology: tpu7x:2x2x1
jax: 0.10.2.dev20260603
libtpu: 0.0.44.dev20260713+nightly
codegen_flags: <defaults>
</compile_context>

<pallas_src>
import functools

import jax
import jax.numpy as jnp
from jax import lax
from jax.experimental import pallas as pl
from jax.experimental.pallas import tpu as pltpu
from jax.experimental.pallas import tpu_sc as plsc

N = 10000
D = 256
SDIM = 4
PDIM = 64
ODIM = 256
NSEG = 4
SEG = N // NSEG
K = 50
SEGP = 2560
NP = NSEG * SEGP

NC, NS, L = 2, 16, 16
NW = NC * NS
QPW = (N + NW - 1) // NW
KP = 56
CV = SEGP // L
INF = float("inf")

BN = 1000


def _prep_body(x_ref, ws_ref, bs_ref, wp_ref, bp_ref, wst_ref,
               space_ref, prop_ref, p_ref):
    xb = x_ref[...]
    space_ref[...] = xb @ ws_ref[...] + bs_ref[...][None, :]
    prop_ref[...] = xb @ wp_ref[...] + bp_ref[...][None, :]
    ct = lax.dot_general(wst_ref[...], xb, (((1,), (1,)), ((), ())),
                         preferred_element_type=jnp.float32)
    sq = jnp.sum(ct * ct, axis=0, keepdims=True)
    col = lax.broadcasted_iota(jnp.int32, (1, SEGP), 1)
    sq = jnp.where(col < SEG, sq, INF)
    ct_t = ct.astype(jnp.bfloat16).astype(jnp.float32)
    p_ref[...] = jnp.concatenate([ct_t, sq], axis=0)


def _prep(xp, W_s, b_s, W_p, b_p, wst):
    return pl.pallas_call(
        _prep_body,
        grid=(NSEG,),
        in_specs=[
            pl.BlockSpec((SEGP, D), lambda s: (s, 0)),
            pl.BlockSpec((D, SDIM), lambda s: (0, 0)),
            pl.BlockSpec((SDIM,), lambda s: (0,)),
            pl.BlockSpec((D, PDIM), lambda s: (0, 0)),
            pl.BlockSpec((PDIM,), lambda s: (0,)),
            pl.BlockSpec((SDIM, D), lambda s: (0, 0)),
        ],
        out_specs=[
            pl.BlockSpec((SEGP, SDIM), lambda s: (s, 0)),
            pl.BlockSpec((SEGP, PDIM), lambda s: (s, 0)),
            pl.BlockSpec((SDIM + 1, SEGP), lambda s: (0, s)),
        ],
        out_shape=[
            jax.ShapeDtypeStruct((NP, SDIM), jnp.float32),
            jax.ShapeDtypeStruct((NP, PDIM), jnp.float32),
            jax.ShapeDtypeStruct((SDIM + 1, NP), jnp.float32),
        ],
    )(xp, W_s, b_s, W_p, b_p, wst)


def _exchange(ka, ia, kb, ib):
    s = kb < ka
    lo_k = jnp.where(s, kb, ka)
    lo_i = jnp.where(s, ib, ia)
    hi_k = jnp.where(s, ka, kb)
    hi_i = jnp.where(s, ia, ib)
    return lo_k, lo_i, hi_k, hi_i


def _sc_knn(P, prop_pad):
    mesh = plsc.VectorSubcoreMesh(core_axis_name="c", subcore_axis_name="s",
                                  num_cores=NC, num_subcores=NS)

    @functools.partial(
        pl.kernel,
        mesh=mesh,
        compiler_params=pltpu.CompilerParams(needs_layout_passes=False,
                                             use_tc_tiling_on_sc=False),
        out_type=[
            jax.ShapeDtypeStruct((N, KP), jnp.int32),
            jax.ShapeDtypeStruct((N, KP), jnp.float32),
            jax.ShapeDtypeStruct((N, PDIM), jnp.float32),
            jax.ShapeDtypeStruct((N, PDIM), jnp.float32),
        ],
        scratch_types=[
            pltpu.VMEM((NP,), jnp.float32),
            pltpu.VMEM((NP,), jnp.float32),
            pltpu.VMEM((NP,), jnp.float32),
            pltpu.VMEM((NP,), jnp.float32),
            pltpu.VMEM((NP,), jnp.float32),
            pltpu.VMEM((1, 4 * L), jnp.int32),
            pltpu.VMEM((4 * L,), jnp.int32),
            pltpu.VMEM((1, 4 * L), jnp.float32),
            pltpu.VMEM((4 * L,), jnp.float32),
            pltpu.VMEM((4 * L, PDIM), jnp.float32),
            pltpu.VMEM((1, PDIM), jnp.float32),
            pltpu.VMEM((1, PDIM), jnp.float32),
            pltpu.SemaphoreType.DMA,
            pltpu.SemaphoreType.DMA,
        ],
    )
    def body(p_hbm, prop_hbm, idx_hbm, dsq_hbm, fmean_hbm, fmax_hbm,
             p0, p1, p2, p3, psq, ibuf, ibufp, dbuf, wbuf, gbuf,
             mbuf, xbuf, sem, osem):
        wid = lax.axis_index("s") * NC + lax.axis_index("c")
        pltpu.sync_copy(p_hbm.at[pl.ds(0 * NP, NP)], p0)
        pltpu.sync_copy(p_hbm.at[pl.ds(1 * NP, NP)], p1)
        pltpu.sync_copy(p_hbm.at[pl.ds(2 * NP, NP)], p2)
        pltpu.sync_copy(p_hbm.at[pl.ds(3 * NP, NP)], p3)
        pltpu.sync_copy(p_hbm.at[pl.ds(4 * NP, NP)], psq)
        lane = lax.iota(jnp.int32, L)

        def qloop(i, carry_q):
            q = wid * QPW + i

            @pl.when(q < N)
            def _():
                seg = q // SEG
                segbase = seg * SEGP
                qpos = segbase + (q - seg * SEG)
                qsplat = jnp.full((L,), qpos, jnp.int32)
                xq0 = plsc.load_gather(p0, [qsplat])
                xq1 = plsc.load_gather(p1, [qsplat])
                xq2 = plsc.load_gather(p2, [qsplat])
                xq3 = plsc.load_gather(p3, [qsplat])
                sqq = plsc.load_gather(psq, [qsplat])

                def _key_at(base):
                    jx0 = p0[pl.ds(base, L)]
                    jx1 = p1[pl.ds(base, L)]
                    jx2 = p2[pl.ds(base, L)]
                    jx3 = p3[pl.ds(base, L)]
                    jsq = psq[pl.ds(base, L)]
                    dot = (jx0 * xq0 + jx1 * xq1) + (jx2 * xq2 + jx3 * xq3)
                    return jsq - (dot + dot)

                def cbody(c, st):
                    t0, t1, t2, t3, i0, i1, i2, i3 = st
                    base = segbase + c * (2 * L)
                    k1 = _key_at(base)
                    k2 = _key_at(base + L)
                    l1 = c * (2 * L) + lane
                    l2 = l1 + L
                    a, ai = plsc.sort_key_val(k1, l1, descending=True)
                    b, bi = plsc.sort_key_val(k2, l2)
                    lo, loi, hi, hii = _exchange(a, ai, b, bi)
                    hd, hdi = plsc.sort_key_val(hi, hii, descending=True)
                    ld, ldi = plsc.sort_key_val(lo, loi, descending=True)
                    s2 = hd < t2
                    t2n = jnp.where(s2, hd, t2)
                    i2n = jnp.where(s2, hdi, i2)
                    s3 = ld < t3
                    t3n = jnp.where(s3, ld, t3)
                    i3n = jnp.where(s3, ldi, i3)
                    a0, ja0, b0, jb0 = _exchange(t0, i0, t2n, i2n)
                    a1, ja1, b1, jb1 = _exchange(t1, i1, t3n, i3n)
                    c0, jc0, c1, jc1 = _exchange(a0, ja0, a1, ja1)
                    d0, jd0, d1, jd1 = _exchange(b0, jb0, b1, jb1)
                    f0, g0 = plsc.sort_key_val(c0, jc0)
                    f1, g1 = plsc.sort_key_val(c1, jc1)
                    f2, g2 = plsc.sort_key_val(d0, jd0)
                    f3, g3 = plsc.sort_key_val(d1, jd1)
                    return f0, f1, f2, f3, g0, g1, g2, g3

                finf = jnp.full((L,), INF, jnp.float32)
                zi = jnp.zeros((L,), jnp.int32)
                st0 = (finf, finf, finf, finf, zi, zi, zi, zi)
                res = lax.fori_loop(0, CV // 2, cbody, st0)
                t_vecs = res[0:4]
                i_vecs = res[4:8]

                @pl.when(i > 0)
                def _():
                    for cd in _out_copies(q - 1):
                        cd.wait()

                for r in range(4):
                    ibufp[pl.ds(r * L, L)] = i_vecs[r] + segbase
                gcopy = pltpu.async_copy(prop_hbm.at[ibufp], gbuf, sem)
                for r in range(4):
                    dsq = jnp.maximum(t_vecs[r] + sqq, 0.0)
                    w = jnp.exp(dsq * -10.0)
                    dbuf[0, pl.ds(r * L, L)] = dsq
                    wbuf[pl.ds(r * L, L)] = w
                    ibuf[0, pl.ds(r * L, L)] = i_vecs[r] + seg * SEG
                gcopy.wait()

                UA = 5

                def abody(kk, acc):
                    a = list(acc)
                    for uu in range(UA):
                        k = kk * UA + uu
                        wk = plsc.load_gather(
                            wbuf, [jnp.full((L,), k, jnp.int32)])
                        for j in range(4):
                            row = gbuf[k, pl.ds(j * L, L)] * wk
                            a[j] = a[j] + row
                            a[4 + j] = jnp.maximum(a[4 + j], row)
                    return tuple(a)

                zf = jnp.zeros((L,), jnp.float32)
                ninf = jnp.full((L,), -INF, jnp.float32)
                acc = lax.fori_loop(0, K // UA, abody,
                                    (zf, zf, zf, zf, ninf, ninf, ninf, ninf))
                for j in range(4):
                    mbuf[0, pl.ds(j * L, L)] = acc[j] * jnp.float32(1.0 / K)
                    xbuf[0, pl.ds(j * L, L)] = acc[4 + j]

                for cd in _out_copies(q):
                    cd.start()

            return carry_q

        def _out_copies(qq):
            return (
                pltpu.make_async_copy(ibuf.at[:, pl.ds(0, KP)],
                                      idx_hbm.at[pl.ds(qq, 1)], osem),
                pltpu.make_async_copy(dbuf.at[:, pl.ds(0, KP)],
                                      dsq_hbm.at[pl.ds(qq, 1)], osem),
                pltpu.make_async_copy(mbuf, fmean_hbm.at[pl.ds(qq, 1)], osem),
                pltpu.make_async_copy(xbuf, fmax_hbm.at[pl.ds(qq, 1)], osem),
            )

        lax.fori_loop(0, QPW, qloop, 0)
        nvalid = jnp.minimum(QPW, N - wid * QPW)
        for cd in _out_copies(wid * QPW + nvalid - 1):
            cd.wait()

    return body(P, prop_pad)


def _out_body(x_ref, fmean_ref, fmax_ref, wo_ref, bo_ref, out_ref):
    wo = wo_ref[...]
    acc = x_ref[...] @ wo[:D, :]
    acc += fmean_ref[...] @ wo[D:D + PDIM, :]
    acc += fmax_ref[...] @ wo[D + PDIM:, :]
    out_ref[...] = jnp.maximum(acc + bo_ref[...][None, :], 0.0)


def _out_proj(x, fmean, fmax, W_o, b_o):
    return pl.pallas_call(
        _out_body,
        grid=(N // BN,),
        in_specs=[
            pl.BlockSpec((BN, D), lambda i: (i, 0)),
            pl.BlockSpec((BN, PDIM), lambda i: (i, 0)),
            pl.BlockSpec((BN, PDIM), lambda i: (i, 0)),
            pl.BlockSpec((D + 2 * PDIM, ODIM), lambda i: (0, 0)),
            pl.BlockSpec((ODIM,), lambda i: (0,)),
        ],
        out_specs=pl.BlockSpec((BN, ODIM), lambda i: (i, 0)),
        out_shape=jax.ShapeDtypeStruct((N, ODIM), jnp.float32),
    )(x, fmean, fmax, W_o, b_o)


def kernel(x, row_splits, W_s, b_s, W_p, b_p, W_o, b_o):
    xp = jnp.pad(x.reshape(NSEG, SEG, D),
                 ((0, 0), (0, SEGP - SEG), (0, 0))).reshape(NP, D)
    space_pad, prop_pad, P = _prep(xp, W_s, b_s, W_p, b_p, W_s.T)
    nbr, dsq, fmean, fmax = _sc_knn(P.reshape(-1), prop_pad)
    nbr = nbr[:, :K]
    dsq = dsq[:, :K]
    space = space_pad.reshape(NSEG, SEGP, SDIM)[:, :SEG].reshape(N, SDIM)
    out = _out_proj(x, fmean, fmax, W_o, b_o)
    return (out, nbr, dsq, space)

# --- scband reference (transcript-rebuilt; emitter-appended) ---
"""Pipeline reference for scband-grav-net-op-79534204387356 (READ-ONLY COPY).

The authoritative reference and input builder live on the scoring server;
editing this copy changes nothing except your own understanding.
"""

import jax, jax.numpy as jnp
import numpy as np

N = 10000
D = 256
SDIM = 4
PDIM = 64
ODIM = 256
NSEG = 4
K = 50

def setup_inputs(seed: int = 0) -> dict:
    key = jax.random.key(seed)
    ks = jax.random.split(key, 8)
    x = jax.random.normal(ks[0], (N, D), dtype=jnp.float32)
    # row_splits: 4 equal segments (events) of 2500 points each, starting at 0
    row_splits = jnp.arange(NSEG + 1, dtype=jnp.int32) * (N // NSEG)
    W_s = jax.random.normal(ks[1], (D, SDIM), dtype=jnp.float32) * (1.0 / np.sqrt(D))
    b_s = jnp.zeros((SDIM,), dtype=jnp.float32)
    W_p = jax.random.normal(ks[2], (D, PDIM), dtype=jnp.float32) * (1.0 / np.sqrt(D))
    b_p = jnp.zeros((PDIM,), dtype=jnp.float32)
    W_o = jax.random.normal(ks[3], (D + 2 * PDIM, ODIM), dtype=jnp.float32) * (1.0 / np.sqrt(D + 2 * PDIM))
    b_o = jnp.zeros((ODIM,), dtype=jnp.float32)
    return {"x": x, "row_splits": row_splits, "W_s": W_s, "b_s": b_s, "W_p": W_p, "b_p": b_p, "W_o": W_o, "b_o": b_o}

def reference(x, row_splits, W_s, b_s, W_p, b_p, W_o, b_o):
    # learned coordinates and propagated features
    space = x @ W_s + b_s                      # (N, SDIM)
    propagate = x @ W_p + b_p                  # (N, PDIM)
    nseg = row_splits.shape[0] - 1
    n = x.shape[0]
    seg = n // nseg                             # equal-size segments
    sp = space.reshape(nseg, seg, -1)
    # exact KNN within each segment (faithful to binned_select_knn semantics:
    # K nearest including self, squared distances)
    sq = jnp.sum(sp * sp, axis=-1)
    d2 = sq[:, :, None] + sq[:, None, :] - 2.0 * jnp.einsum('bid,bjd->bij', sp, sp)
    d2 = jnp.maximum(d2, 0.0)
    negv, idx = jax.lax.top_k(-d2, K)           # (nseg, seg, K)
    distsq = jnp.maximum(-negv, 0.0)
    offsets = (jnp.arange(nseg, dtype=jnp.int32) * seg)[:, None, None]
    neighbor_idx = idx.astype(jnp.int32) + offsets
    # gather neighbor propagate-features (select_with_default; no invalid idx here)
    prop = propagate.reshape(nseg, seg, -1)
    gathered = jax.vmap(lambda p, i: p[i])(prop, idx)   # (nseg, seg, K, PDIM)
    weights = jnp.exp(-10.0 * distsq)[..., None]
    pw = gathered * weights
    fmean = jnp.mean(pw, axis=2).reshape(n, -1)
    fmax = jnp.max(pw, axis=2).reshape(n, -1)
    output = jnp.concatenate([x, fmean, fmax], axis=1)
    out = jax.nn.relu(output @ W_o + b_o)
    return (out, neighbor_idx.reshape(n, K), distsq.reshape(n, K), space)

if __name__ == "__main__":
    import jax
    _d = setup_inputs()
    print(jax.jit(kernel)(*tuple(_d.values())))

</pallas_src>

<mosaic_0001>
#map = affine_map<(d0, d1) -> (0)>
#map1 = affine_map<(d0, d1) -> (0, 0)>
module attributes {stable_mosaic.version = 14 : i64} {
  func.func @body(%arg0: i32, %arg1: i32, %arg2: memref<51200xf32, #tpu.memory_space<hbm>>, %arg3: memref<10240x64xf32, #tpu.memory_space<hbm>>, %arg4: memref<10000x56xi32, #tpu.memory_space<hbm>>, %arg5: memref<10000x56xf32, #tpu.memory_space<hbm>>, %arg6: memref<10000x64xf32, #tpu.memory_space<hbm>>, %arg7: memref<10000x64xf32, #tpu.memory_space<hbm>>, %arg8: memref<10240xf32, #tpu.memory_space<vmem>>, %arg9: memref<10240xf32, #tpu.memory_space<vmem>>, %arg10: memref<10240xf32, #tpu.memory_space<vmem>>, %arg11: memref<10240xf32, #tpu.memory_space<vmem>>, %arg12: memref<10240xf32, #tpu.memory_space<vmem>>, %arg13: memref<1x64xi32, #tpu.memory_space<vmem>>, %arg14: memref<64xi32, #tpu.memory_space<vmem>>, %arg15: memref<1x64xf32, #tpu.memory_space<vmem>>, %arg16: memref<64xf32, #tpu.memory_space<vmem>>, %arg17: memref<64x64xf32, #tpu.memory_space<vmem>>, %arg18: memref<1x64xf32, #tpu.memory_space<vmem>>, %arg19: memref<1x64xf32, #tpu.memory_space<vmem>>, %arg20: memref<!tpu.dma_semaphore, #tpu.memory_space<semaphore_mem>>, %arg21: memref<!tpu.dma_semaphore, #tpu.memory_space<semaphore_mem>>) attributes {dimension_semantics = [#tpu.dimension_semantics<core_parallel>, #tpu.dimension_semantics<subcore_parallel>], iteration_bounds = array<i64: 2, 16>, scalar_prefetch = 0 : i64, scratch_operands = 14 : i64, tpu.core_type = #tpu.core_type<sc_vector_subcore>, window_params = [{transform_indices = #map}, {transform_indices = #map1}, {transform_indices = #map1}, {transform_indices = #map1}, {transform_indices = #map1}, {transform_indices = #map1}]} {
    %mul3A = arith.constant 2 : i32
    %mul3A_0 = arith.muli %arg1, %mul3A : i32
    %add3A = arith.addi %mul3A_0, %arg0 : i32
    "tpu.region"() ({
      %run_scoped3A = tpu.sem_alloc : memref<!tpu.dma_semaphore, #tpu.memory_space<semaphore_mem>>
      %dma_start3A = arith.constant 0 : i32
      %dma_start3A_42 = tpu.memref_slice %arg2[%dma_start3A] : memref<51200xf32, #tpu.memory_space<hbm>> -> memref<10240xf32, #tpu.memory_space<hbm>>
      %dma_start3A_43 = arith.constant 0 : i32
      %dma_start3A_44 = tpu.memref_slice %arg2[%dma_start3A_43] : memref<51200xf32, #tpu.memory_space<hbm>> -> memref<10240xf32, #tpu.memory_space<hbm>>
      tpu.enqueue_dma source(%dma_start3A_44 : memref<10240xf32, #tpu.memory_space<hbm>>) target(%arg8 : memref<10240xf32, #tpu.memory_space<vmem>>) target_semaphore(%run_scoped3A : memref<!tpu.dma_semaphore, #tpu.memory_space<semaphore_mem>>)
      %dma_wait3A_45 = arith.constant 0 : i32
      %dma_wait3A_46 = tpu.memref_slice %arg2[%dma_wait3A_45] : memref<51200xf32, #tpu.memory_space<hbm>> -> memref<10240xf32, #tpu.memory_space<hbm>>
      %dma_wait3A_47 = arith.constant 0 : i32
      %dma_wait3A_48 = tpu.memref_slice %arg2[%dma_wait3A_47] : memref<51200xf32, #tpu.memory_space<hbm>> -> memref<10240xf32, #tpu.memory_space<hbm>>
      tpu.wait_dma2 semaphore(%run_scoped3A : memref<!tpu.dma_semaphore, #tpu.memory_space<semaphore_mem>>) src(%dma_wait3A_48 : memref<10240xf32, #tpu.memory_space<hbm>>) dst(%arg8 : memref<10240xf32, #tpu.memory_space<vmem>>)
      tpu.yield
    }) : () -> ()
    "tpu.region"() ({
      %run_scoped3A = tpu.sem_alloc : memref<!tpu.dma_semaphore, #tpu.memory_space<semaphore_mem>>
      %dma_start3A = arith.constant 10240 : i32
      %dma_start3A_42 = tpu.memref_slice %arg2[%dma_start3A] : memref<51200xf32, #tpu.memory_space<hbm>> -> memref<10240xf32, #tpu.memory_space<hbm>>
      %dma_start3A_43 = arith.constant 10240 : i32
      %dma_start3A_44 = tpu.memref_slice %arg2[%dma_start3A_43] : memref<51200xf32, #tpu.memory_space<hbm>> -> memref<10240xf32, #tpu.memory_space<hbm>>
      tpu.enqueue_dma source(%dma_start3A_44 : memref<10240xf32, #tpu.memory_space<hbm>>) target(%arg9 : memref<10240xf32, #tpu.memory_space<vmem>>) target_semaphore(%run_scoped3A : memref<!tpu.dma_semaphore, #tpu.memory_space<semaphore_mem>>)
      %dma_wait3A_45 = arith.constant 10240 : i32
      %dma_wait3A_46 = tpu.memref_slice %arg2[%dma_wait3A_45] : memref<51200xf32, #tpu.memory_space<hbm>> -> memref<10240xf32, #tpu.memory_space<hbm>>
      %dma_wait3A_47 = arith.constant 10240 : i32
      %dma_wait3A_48 = tpu.memref_slice %arg2[%dma_wait3A_47] : memref<51200xf32, #tpu.memory_space<hbm>> -> memref<10240xf32, #tpu.memory_space<hbm>>
      tpu.wait_dma2 semaphore(%run_scoped3A : memref<!tpu.dma_semaphore, #tpu.memory_space<semaphore_mem>>) src(%dma_wait3A_48 : memref<10240xf32, #tpu.memory_space<hbm>>) dst(%arg9 : memref<10240xf32, #tpu.memory_space<vmem>>)
      tpu.yield
    }) : () -> ()
    "tpu.region"() ({
      %run_scoped3A = tpu.sem_alloc : memref<!tpu.dma_semaphore, #tpu.memory_space<semaphore_mem>>
      %dma_start3A = arith.constant 20480 : i32
      %dma_start3A_42 = tpu.memref_slice %arg2[%dma_start3A] : memref<51200xf32, #tpu.memory_space<hbm>> -> memref<10240xf32, #tpu.memory_space<hbm>>
      %dma_start3A_43 = arith.constant 20480 : i32
      %dma_start3A_44 = tpu.memref_slice %arg2[%dma_start3A_43] : memref<51200xf32, #tpu.memory_space<hbm>> -> memref<10240xf32, #tpu.memory_space<hbm>>
      tpu.enqueue_dma source(%dma_start3A_44 : memref<10240xf32, #tpu.memory_space<hbm>>) target(%arg10 : memref<10240xf32, #tpu.memory_space<vmem>>) target_semaphore(%run_scoped3A : memref<!tpu.dma_semaphore, #tpu.memory_space<semaphore_mem>>)
      %dma_wait3A_45 = arith.constant 20480 : i32
      %dma_wait3A_46 = tpu.memref_slice %arg2[%dma_wait3A_45] : memref<51200xf32, #tpu.memory_space<hbm>> -> memref<10240xf32, #tpu.memory_space<hbm>>
      %dma_wait3A_47 = arith.constant 20480 : i32
      %dma_wait3A_48 = tpu.memref_slice %arg2[%dma_wait3A_47] : memref<51200xf32, #tpu.memory_space<hbm>> -> memref<10240xf32, #tpu.memory_space<hbm>>
      tpu.wait_dma2 semaphore(%run_scoped3A : memref<!tpu.dma_semaphore, #tpu.memory_space<semaphore_mem>>) src(%dma_wait3A_48 : memref<10240xf32, #tpu.memory_space<hbm>>) dst(%arg10 : memref<10240xf32, #tpu.memory_space<vmem>>)
      tpu.yield
    }) : () -> ()
    "tpu.region"() ({
      %run_scoped3A = tpu.sem_alloc : memref<!tpu.dma_semaphore, #tpu.memory_space<semaphore_mem>>
      %dma_start3A = arith.constant 30720 : i32
      %dma_start3A_42 = tpu.memref_slice %arg2[%dma_start3A] : memref<51200xf32, #tpu.memory_space<hbm>> -> memref<10240xf32, #tpu.memory_space<hbm>>
      %dma_start3A_43 = arith.constant 30720 : i32
      %dma_start3A_44 = tpu.memref_slice %arg2[%dma_start3A_43] : memref<51200xf32, #tpu.memory_space<hbm>> -> memref<10240xf32, #tpu.memory_space<hbm>>
      tpu.enqueue_dma source(%dma_start3A_44 : memref<10240xf32, #tpu.memory_space<hbm>>) target(%arg11 : memref<10240xf32, #tpu.memory_space<vmem>>) target_semaphore(%run_scoped3A : memref<!tpu.dma_semaphore, #tpu.memory_space<semaphore_mem>>)
      %dma_wait3A_45 = arith.constant 30720 : i32
      %dma_wait3A_46 = tpu.memref_slice %arg2[%dma_wait3A_45] : memref<51200xf32, #tpu.memory_space<hbm>> -> memref<10240xf32, #tpu.memory_space<hbm>>
      %dma_wait3A_47 = arith.constant 30720 : i32
      %dma_wait3A_48 = tpu.memref_slice %arg2[%dma_wait3A_47] : memref<51200xf32, #tpu.memory_space<hbm>> -> memref<10240xf32, #tpu.memory_space<hbm>>
      tpu.wait_dma2 semaphore(%run_scoped3A : memref<!tpu.dma_semaphore, #tpu.memory_space<semaphore_mem>>) src(%dma_wait3A_48 : memref<10240xf32, #tpu.memory_space<hbm>>) dst(%arg11 : memref<10240xf32, #tpu.memory_space<vmem>>)
      tpu.yield
    }) : () -> ()
    "tpu.region"() ({
      %run_scoped3A = tpu.sem_alloc : memref<!tpu.dma_semaphore, #tpu.memory_space<semaphore_mem>>
      %dma_start3A = arith.constant 40960 : i32
      %dma_start3A_42 = tpu.memref_slice %arg2[%dma_start3A] : memref<51200xf32, #tpu.memory_space<hbm>> -> memref<10240xf32, #tpu.memory_space<hbm>>
      %dma_start3A_43 = arith.constant 40960 : i32
      %dma_start3A_44 = tpu.memref_slice %arg2[%dma_start3A_43] : memref<51200xf32, #tpu.memory_space<hbm>> -> memref<10240xf32, #tpu.memory_space<hbm>>
      tpu.enqueue_dma source(%dma_start3A_44 : memref<10240xf32, #tpu.memory_space<hbm>>) target(%arg12 : memref<10240xf32, #tpu.memory_space<vmem>>) target_semaphore(%run_scoped3A : memref<!tpu.dma_semaphore, #tpu.memory_space<semaphore_mem>>)
      %dma_wait3A_45 = arith.constant 40960 : i32
      %dma_wait3A_46 = tpu.memref_slice %arg2[%dma_wait3A_45] : memref<51200xf32, #tpu.memory_space<hbm>> -> memref<10240xf32, #tpu.memory_space<hbm>>
      %dma_wait3A_47 = arith.constant 40960 : i32
      %dma_wait3A_48 = tpu.memref_slice %arg2[%dma_wait3A_47] : memref<51200xf32, #tpu.memory_space<hbm>> -> memref<10240xf32, #tpu.memory_space<hbm>>
      tpu.wait_dma2 semaphore(%run_scoped3A : memref<!tpu.dma_semaphore, #tpu.memory_space<semaphore_mem>>) src(%dma_wait3A_48 : memref<10240xf32, #tpu.memory_space<hbm>>) dst(%arg12 : memref<10240xf32, #tpu.memory_space<vmem>>)
      tpu.yield
    }) : () -> ()
    %iota3A = tpu.iota {dimensions = array<i32: 0>} : vector<16xi32>
    %scan3A = arith.constant 0 : i32
    %scan3A_1 = arith.constant 0 : i32
    %scan3A_2 = arith.constant 313 : i32
    %scan3A_3 = arith.addi %scan3A_1, %scan3A_2 : i32
    %scan3A_4 = arith.constant 1 : i32
    scf.for %scan3A_42 = %scan3A_1 to %scan3A_3 step %scan3A_4  : i32 {
      %mul3A_43 = arith.constant 313 : i32
      %mul3A_44 = arith.muli %add3A, %mul3A_43 : i32
      %add3A_45 = arith.addi %mul3A_44, %scan3A_42 : i32
      %lt3A = arith.constant 10000 : i32
      %lt3A_46 = arith.cmpi slt, %add3A_45, %lt3A : i32
      %convert_element_type3A = arith.extui %lt3A_46 : i1 to i32
      %cond3A = arith.constant 0 : i32
      %cond3A_47 = arith.cmpi ne, %convert_element_type3A, %cond3A : i32
      scf.if %cond3A_47 {
        %jit3A = arith.constant 2500 : i32
        %div3A = arith.divsi %add3A_45, %jit3A : i32
        %sign3A = arith.constant 0 : i32
        %sign3A_48 = arith.cmpi sgt, %add3A_45, %sign3A : i32
        %sign3A_49 = arith.extui %sign3A_48 : i1 to i32
        %sign3A_50 = arith.constant 0 : i32
        %sign3A_51 = arith.cmpi slt, %add3A_45, %sign3A_50 : i32
        %sign3A_52 = arith.extui %sign3A_51 : i1 to i32
        %sign3A_53 = arith.subi %sign3A_49, %sign3A_52 : i32
        %sign3A_54 = arith.constant 0 : i32
        %sign3A_55 = arith.cmpi sgt, %jit3A, %sign3A_54 : i32
        %sign3A_56 = arith.extui %sign3A_55 : i1 to i32
        %sign3A_57 = arith.constant 0 : i32
        %sign3A_58 = arith.cmpi slt, %jit3A, %sign3A_57 : i32
        %sign3A_59 = arith.extui %sign3A_58 : i1 to i32
        %sign3A_60 = arith.subi %sign3A_56, %sign3A_59 : i32
        %ne3A = arith.cmpi ne, %sign3A_53, %sign3A_60 : i32
        %rem3A = arith.remsi %add3A_45, %jit3A : i32
        %ne3A_61 = arith.constant 0 : i32
        %ne3A_62 = arith.cmpi ne, %rem3A, %ne3A_61 : i32
        %and3A = arith.andi %ne3A, %ne3A_62 : i1
        %sub3A_63 = arith.constant 1 : i32
        %sub3A_64 = arith.subi %div3A, %sub3A_63 : i32
        %select_n3A = arith.select %and3A, %sub3A_64, %div3A : i32
        %mul3A_65 = arith.constant 2560 : i32
        %mul3A_66 = arith.muli %select_n3A, %mul3A_65 : i32
        %mul3A_67 = arith.constant 2500 : i32
        %mul3A_68 = arith.muli %select_n3A, %mul3A_67 : i32
        %sub3A_69 = arith.subi %add3A_45, %mul3A_68 : i32
        %add3A_70 = arith.addi %mul3A_66, %sub3A_69 : i32
        %broadcast_in_dim3A = vector.broadcast %add3A_70 : i32 to vector<16xi32>
        %gather3A = tpu.vector_load_idx %arg8[%broadcast_in_dim3A] : memref<10240xf32, #tpu.memory_space<vmem>>[vector<16xi32>], vector<16xf32>,
        %gather3A_71 = tpu.vector_load_idx %arg9[%broadcast_in_dim3A] : memref<10240xf32, #tpu.memory_space<vmem>>[vector<16xi32>], vector<16xf32>,
        %gather3A_72 = tpu.vector_load_idx %arg10[%broadcast_in_dim3A] : memref<10240xf32, #tpu.memory_space<vmem>>[vector<16xi32>], vector<16xf32>,
        %gather3A_73 = tpu.vector_load_idx %arg11[%broadcast_in_dim3A] : memref<10240xf32, #tpu.memory_space<vmem>>[vector<16xi32>], vector<16xf32>,
        %gather3A_74 = tpu.vector_load_idx %arg12[%broadcast_in_dim3A] : memref<10240xf32, #tpu.memory_space<vmem>>[vector<16xi32>], vector<16xf32>,
        %broadcast_in_dim3A_75 = arith.constant 0x7F800000 : f32
        %broadcast_in_dim3A_76 = vector.broadcast %broadcast_in_dim3A_75 : f32 to vector<16xf32>
        %broadcast_in_dim3A_77 = arith.constant 0 : i32
        %broadcast_in_dim3A_78 = vector.broadcast %broadcast_in_dim3A_77 : i32 to vector<16xi32>
        %scan3A_79 = arith.constant 0 : i32
        %scan3A_80 = arith.constant 80 : i32
        %scan3A_81 = arith.addi %scan3A_79, %scan3A_80 : i32
        %scan3A_82 = arith.constant 1 : i32
        %scan3A_83:8 = scf.for %scan3A_277 = %scan3A_79 to %scan3A_81 step %scan3A_82 iter_args(%scan3A_278 = %broadcast_in_dim3A_76, %scan3A_279 = %broadcast_in_dim3A_76, %scan3A_280 = %broadcast_in_dim3A_76, %scan3A_281 = %broadcast_in_dim3A_76, %scan3A_282 = %broadcast_in_dim3A_78, %scan3A_283 = %broadcast_in_dim3A_78, %scan3A_284 = %broadcast_in_dim3A_78, %scan3A_285 = %broadcast_in_dim3A_78) -> (vector<16xf32>, vector<16xf32>, vector<16xf32>, vector<16xf32>, vector<16xi32>, vector<16xi32>, vector<16xi32>, vector<16xi32>)  : i32 {
          %mul3A_286 = arith.constant 32 : i32
          %mul3A_287 = arith.muli %scan3A_277, %mul3A_286 : i32
          %add3A_288 = arith.addi %mul3A_66, %mul3A_287 : i32
          %get3A = arith.index_cast %add3A_288 : i32 to index
          %get3A_289 = tpu.vector_load %arg8[%get3A] {strides = array<i32>} : memref<10240xf32, #tpu.memory_space<vmem>>, vector<16xf32>,
          %get3A_290 = arith.index_cast %add3A_288 : i32 to index
          %get3A_291 = tpu.vector_load %arg9[%get3A_290] {strides = array<i32>} : memref<10240xf32, #tpu.memory_space<vmem>>, vector<16xf32>,
          %get3A_292 = arith.index_cast %add3A_288 : i32 to index
          %get3A_293 = tpu.vector_load %arg10[%get3A_292] {strides = array<i32>} : memref<10240xf32, #tpu.memory_space<vmem>>, vector<16xf32>,
          %get3A_294 = arith.index_cast %add3A_288 : i32 to index
          %get3A_295 = tpu.vector_load %arg11[%get3A_294] {strides = array<i32>} : memref<10240xf32, #tpu.memory_space<vmem>>, vector<16xf32>,
          %get3A_296 = arith.index_cast %add3A_288 : i32 to index
          %get3A_297 = tpu.vector_load %arg12[%get3A_296] {strides = array<i32>} : memref<10240xf32, #tpu.memory_space<vmem>>, vector<16xf32>,
          %mul3A_298 = arith.mulf %get3A_289, %gather3A : vector<16xf32>
          %mul3A_299 = arith.mulf %get3A_291, %gather3A_71 : vector<16xf32>
          %add3A_300 = arith.addf %mul3A_298, %mul3A_299 : vector<16xf32>
          %mul3A_301 = arith.mulf %get3A_293, %gather3A_72 : vector<16xf32>
          %mul3A_302 = arith.mulf %get3A_295, %gather3A_73 : vector<16xf32>
          %add3A_303 = arith.addf %mul3A_301, %mul3A_302 : vector<16xf32>
          %add3A_304 = arith.addf %add3A_300, %add3A_303 : vector<16xf32>
          %add3A_305 = arith.addf %add3A_304, %add3A_304 : vector<16xf32>
          %sub3A_306 = arith.subf %get3A_297, %add3A_305 : vector<16xf32>
          %add3A_307 = arith.constant 16 : i32
          %add3A_308 = arith.addi %add3A_288, %add3A_307 : i32
          %get3A_309 = arith.index_cast %add3A_308 : i32 to index
          %get3A_310 = tpu.vector_load %arg8[%get3A_309] {strides = array<i32>} : memref<10240xf32, #tpu.memory_space<vmem>>, vector<16xf32>,
          %get3A_311 = arith.index_cast %add3A_308 : i32 to index
          %get3A_312 = tpu.vector_load %arg9[%get3A_311] {strides = array<i32>} : memref<10240xf32, #tpu.memory_space<vmem>>, vector<16xf32>,
          %get3A_313 = arith.index_cast %add3A_308 : i32 to index
          %get3A_314 = tpu.vector_load %arg10[%get3A_313] {strides = array<i32>} : memref<10240xf32, #tpu.memory_space<vmem>>, vector<16xf32>,
          %get3A_315 = arith.index_cast %add3A_308 : i32 to index
          %get3A_316 = tpu.vector_load %arg11[%get3A_315] {strides = array<i32>} : memref<10240xf32, #tpu.memory_space<vmem>>, vector<16xf32>,
          %get3A_317 = arith.index_cast %add3A_308 : i32 to index
          %get3A_318 = tpu.vector_load %arg12[%get3A_317] {strides = array<i32>} : memref<10240xf32, #tpu.memory_space<vmem>>, vector<16xf32>,
          %mul3A_319 = arith.mulf %get3A_310, %gather3A : vector<16xf32>
          %mul3A_320 = arith.mulf %get3A_312, %gather3A_71 : vector<16xf32>
          %add3A_321 = arith.addf %mul3A_319, %mul3A_320 : vector<16xf32>
          %mul3A_322 = arith.mulf %get3A_314, %gather3A_72 : vector<16xf32>
          %mul3A_323 = arith.mulf %get3A_316, %gather3A_73 : vector<16xf32>
          %add3A_324 = arith.addf %mul3A_322, %mul3A_323 : vector<16xf32>
          %add3A_325 = arith.addf %add3A_321, %add3A_324 : vector<16xf32>
          %add3A_326 = arith.addf %add3A_325, %add3A_325 : vector<16xf32>
          %sub3A_327 = arith.subf %get3A_318, %add3A_326 : vector<16xf32>
          %mul3A_328 = arith.constant 32 : i32
          %mul3A_329 = arith.muli %scan3A_277, %mul3A_328 : i32
          %add3A_330 = vector.broadcast %mul3A_329 : i32 to vector<16xi32>
          %add3A_331 = arith.addi %add3A_330, %iota3A : vector<16xi32>
          %add3A_332 = arith.constant 16 : i32
          %add3A_333 = vector.broadcast %add3A_332 : i32 to vector<16xi32>
          %add3A_334 = arith.addi %add3A_331, %add3A_333 : vector<16xi32>
          %masked_sort3A = arith.constant dense<true> : vector<16xi1>
          %masked_sort3A_335, %masked_sort3A_336, %masked_sort3A_337 = tpu.sort %sub3A_306, %add3A_331 masked %masked_sort3A {descending = true} : (vector<16xf32>, vector<16xi32>, vector<16xi1>) -> (vector<16xi1>, vector<16xf32>, vector<16xi32>)
          %masked_sort3A_338 = arith.constant dense<true> : vector<16xi1>
          %masked_sort3A_339, %masked_sort3A_340, %masked_sort3A_341 = tpu.sort %sub3A_327, %add3A_334 masked %masked_sort3A_338 : (vector<16xf32>, vector<16xi32>, vector<16xi1>) -> (vector<16xi1>, vector<16xf32>, vector<16xi32>)
          %lt3A_342 = arith.cmpf olt, %masked_sort3A_340, %masked_sort3A_336 : vector<16xf32>
          %select_n3A_343 = arith.select %lt3A_342, %masked_sort3A_340, %masked_sort3A_336 : vector<16xi1>, vector<16xf32>
          %select_n3A_344 = arith.select %lt3A_342, %masked_sort3A_341, %masked_sort3A_337 : vector<16xi1>, vector<16xi32>
          %select_n3A_345 = arith.select %lt3A_342, %masked_sort3A_336, %masked_sort3A_340 : vector<16xi1>, vector<16xf32>
          %select_n3A_346 = arith.select %lt3A_342, %masked_sort3A_337, %masked_sort3A_341 : vector<16xi1>, vector<16xi32>
          %masked_sort3A_347 = arith.constant dense<true> : vector<16xi1>
          %masked_sort3A_348, %masked_sort3A_349, %masked_sort3A_350 = tpu.sort %select_n3A_345, %select_n3A_346 masked %masked_sort3A_347 {descending = true} : (vector<16xf32>, vector<16xi32>, vector<16xi1>) -> (vector<16xi1>, vector<16xf32>, vector<16xi32>)
          %masked_sort3A_351 = arith.constant dense<true> : vector<16xi1>
          %masked_sort3A_352, %masked_sort3A_353, %masked_sort3A_354 = tpu.sort %select_n3A_343, %select_n3A_344 masked %masked_sort3A_351 {descending = true} : (vector<16xf32>, vector<16xi32>, vector<16xi1>) -> (vector<16xi1>, vector<16xf32>, vector<16xi32>)
          %lt3A_355 = arith.cmpf olt, %masked_sort3A_349, %scan3A_280 : vector<16xf32>
          %select_n3A_356 = arith.select %lt3A_355, %masked_sort3A_349, %scan3A_280 : vector<16xi1>, vector<16xf32>
          %select_n3A_357 = arith.select %lt3A_355, %masked_sort3A_350, %scan3A_284 : vector<16xi1>, vector<16xi32>
          %lt3A_358 = arith.cmpf olt, %masked_sort3A_353, %scan3A_281 : vector<16xf32>
          %select_n3A_359 = arith.select %lt3A_358, %masked_sort3A_353, %scan3A_281 : vector<16xi1>, vector<16xf32>
          %select_n3A_360 = arith.select %lt3A_358, %masked_sort3A_354, %scan3A_285 : vector<16xi1>, vector<16xi32>
          %lt3A_361 = arith.cmpf olt, %select_n3A_356, %scan3A_278 : vector<16xf32>
          %select_n3A_362 = arith.select %lt3A_361, %select_n3A_356, %scan3A_278 : vector<16xi1>, vector<16xf32>
          %select_n3A_363 = arith.select %lt3A_361, %select_n3A_357, %scan3A_282 : vector<16xi1>, vector<16xi32>
          %select_n3A_364 = arith.select %lt3A_361, %scan3A_278, %select_n3A_356 : vector<16xi1>, vector<16xf32>
          %select_n3A_365 = arith.select %lt3A_361, %scan3A_282, %select_n3A_357 : vector<16xi1>, vector<16xi32>
          %lt3A_366 = arith.cmpf olt, %select_n3A_359, %scan3A_279 : vector<16xf32>
          %select_n3A_367 = arith.select %lt3A_366, %select_n3A_359, %scan3A_279 : vector<16xi1>, vector<16xf32>
          %select_n3A_368 = arith.select %lt3A_366, %select_n3A_360, %scan3A_283 : vector<16xi1>, vector<16xi32>
          %select_n3A_369 = arith.select %lt3A_366, %scan3A_279, %select_n3A_359 : vector<16xi1>, vector<16xf32>
          %select_n3A_370 = arith.select %lt3A_366, %scan3A_283, %select_n3A_360 : vector<16xi1>, vector<16xi32>
          %lt3A_371 = arith.cmpf olt, %select_n3A_367, %select_n3A_362 : vector<16xf32>
          %select_n3A_372 = arith.select %lt3A_371, %select_n3A_367, %select_n3A_362 : vector<16xi1>, vector<16xf32>
          %select_n3A_373 = arith.select %lt3A_371, %select_n3A_368, %select_n3A_363 : vector<16xi1>, vector<16xi32>
          %select_n3A_374 = arith.select %lt3A_371, %select_n3A_362, %select_n3A_367 : vector<16xi1>, vector<16xf32>
          %select_n3A_375 = arith.select %lt3A_371, %select_n3A_363, %select_n3A_368 : vector<16xi1>, vector<16xi32>
          %lt3A_376 = arith.cmpf olt, %select_n3A_369, %select_n3A_364 : vector<16xf32>
          %select_n3A_377 = arith.select %lt3A_376, %select_n3A_369, %select_n3A_364 : vector<16xi1>, vector<16xf32>
          %select_n3A_378 = arith.select %lt3A_376, %select_n3A_370, %select_n3A_365 : vector<16xi1>, vector<16xi32>
          %select_n3A_379 = arith.select %lt3A_376, %select_n3A_364, %select_n3A_369 : vector<16xi1>, vector<16xf32>
          %select_n3A_380 = arith.select %lt3A_376, %select_n3A_365, %select_n3A_370 : vector<16xi1>, vector<16xi32>
          %masked_sort3A_381 = arith.constant dense<true> : vector<16xi1>
          %masked_sort3A_382, %masked_sort3A_383, %masked_sort3A_384 = tpu.sort %select_n3A_372, %select_n3A_373 masked %masked_sort3A_381 : (vector<16xf32>, vector<16xi32>, vector<16xi1>) -> (vector<16xi1>, vector<16xf32>, vector<16xi32>)
          %masked_sort3A_385 = arith.constant dense<true> : vector<16xi1>
          %masked_sort3A_386, %masked_sort3A_387, %masked_sort3A_388 = tpu.sort %select_n3A_374, %select_n3A_375 masked %masked_sort3A_385 : (vector<16xf32>, vector<16xi32>, vector<16xi1>) -> (vector<16xi1>, vector<16xf32>, vector<16xi32>)
          %masked_sort3A_389 = arith.constant dense<true> : vector<16xi1>
          %masked_sort3A_390, %masked_sort3A_391, %masked_sort3A_392 = tpu.sort %select_n3A_377, %select_n3A_378 masked %masked_sort3A_389 : (vector<16xf32>, vector<16xi32>, vector<16xi1>) -> (vector<16xi1>, vector<16xf32>, vector<16xi32>)
          %masked_sort3A_393 = arith.constant dense<true> : vector<16xi1>
          %masked_sort3A_394, %masked_sort3A_395, %masked_sort3A_396 = tpu.sort %select_n3A_379, %select_n3A_380 masked %masked_sort3A_393 : (vector<16xf32>, vector<16xi32>, vector<16xi1>) -> (vector<16xi1>, vector<16xf32>, vector<16xi32>)
          scf.yield %masked_sort3A_383, %masked_sort3A_387, %masked_sort3A_391, %masked_sort3A_395, %masked_sort3A_384, %masked_sort3A_388, %masked_sort3A_392, %masked_sort3A_396 : vector<16xf32>, vector<16xf32>, vector<16xf32>, vector<16xf32>, vector<16xi32>, vector<16xi32>, vector<16xi32>, vector<16xi32>
        }
        %scan3A_84 = arith.constant 80 : i32
        %gt3A = arith.constant 0 : i32
        %gt3A_85 = arith.cmpi sgt, %scan3A_42, %gt3A : i32
        %convert_element_type3A_86 = arith.extui %gt3A_85 : i1 to i32
        %cond3A_87 = arith.constant 0 : i32
        %cond3A_88 = arith.cmpi ne, %convert_element_type3A_86, %cond3A_87 : i32
        scf.if %cond3A_88 {
          %sub3A_277 = arith.constant 1 : i32
          %sub3A_278 = arith.subi %add3A_45, %sub3A_277 : i32
          %dma_wait3A_279 = arith.constant 0 : i32
          %dma_wait3A_280 = arith.constant 0 : i32
          %dma_wait3A_281 = tpu.memref_slice %arg13[%dma_wait3A_279, %dma_wait3A_280] : memref<1x64xi32, #tpu.memory_space<vmem>> -> memref<1x56xi32, #tpu.memory_space<vmem>>
          %dma_wait3A_282 = arith.constant 0 : i32
          %dma_wait3A_283 = tpu.memref_slice %arg4[%sub3A_278, %dma_wait3A_282] : memref<10000x56xi32, #tpu.memory_space<hbm>> -> memref<1x56xi32, #tpu.memory_space<hbm>>
          %dma_wait3A_284 = arith.constant 0 : i32
          %dma_wait3A_285 = tpu.memref_slice %arg4[%sub3A_278, %dma_wait3A_284] : memref<10000x56xi32, #tpu.memory_space<hbm>> -> memref<1x56xi32, #tpu.memory_space<hbm>>
          %dma_wait3A_286 = arith.constant 0 : i32
          %dma_wait3A_287 = arith.constant 0 : i32
          %dma_wait3A_288 = tpu.memref_slice %arg13[%dma_wait3A_286, %dma_wait3A_287] : memref<1x64xi32, #tpu.memory_space<vmem>> -> memref<1x56xi32, #tpu.memory_space<vmem>>
          tpu.wait_dma2 semaphore(%arg21 : memref<!tpu.dma_semaphore, #tpu.memory_space<semaphore_mem>>) src(%dma_wait3A_288 : memref<1x56xi32, #tpu.memory_space<vmem>>) dst(%dma_wait3A_285 : memref<1x56xi32, #tpu.memory_space<hbm>>)
          %dma_wait3A_289 = arith.constant 0 : i32
          %dma_wait3A_290 = arith.constant 0 : i32
          %dma_wait3A_291 = tpu.memref_slice %arg15[%dma_wait3A_289, %dma_wait3A_290] : memref<1x64xf32, #tpu.memory_space<vmem>> -> memref<1x56xf32, #tpu.memory_space<vmem>>
          %dma_wait3A_292 = arith.constant 0 : i32
          %dma_wait3A_293 = tpu.memref_slice %arg5[%sub3A_278, %dma_wait3A_292] : memref<10000x56xf32, #tpu.memory_space<hbm>> -> memref<1x56xf32, #tpu.memory_space<hbm>>
          %dma_wait3A_294 = arith.constant 0 : i32
          %dma_wait3A_295 = tpu.memref_slice %arg5[%sub3A_278, %dma_wait3A_294] : memref<10000x56xf32, #tpu.memory_space<hbm>> -> memref<1x56xf32, #tpu.memory_space<hbm>>
          %dma_wait3A_296 = arith.constant 0 : i32
          %dma_wait3A_297 = arith.constant 0 : i32
          %dma_wait3A_298 = tpu.memref_slice %arg15[%dma_wait3A_296, %dma_wait3A_297] : memref<1x64xf32, #tpu.memory_space<vmem>> -> memref<1x56xf32, #tpu.memory_space<vmem>>
          tpu.wait_dma2 semaphore(%arg21 : memref<!tpu.dma_semaphore, #tpu.memory_space<semaphore_mem>>) src(%dma_wait3A_298 : memref<1x56xf32, #tpu.memory_space<vmem>>) dst(%dma_wait3A_295 : memref<1x56xf32, #tpu.memory_space<hbm>>)
          %dma_wait3A_299 = arith.constant 0 : i32
          %dma_wait3A_300 = tpu.memref_slice %arg6[%sub3A_278, %dma_wait3A_299] : memref<10000x64xf32, #tpu.memory_space<hbm>> -> memref<1x64xf32, #tpu.memory_space<hbm>>
          %dma_wait3A_301 = arith.constant 0 : i32
          %dma_wait3A_302 = tpu.memref_slice %arg6[%sub3A_278, %dma_wait3A_301] : memref<10000x64xf32, #tpu.memory_space<hbm>> -> memref<1x64xf32, #tpu.memory_space<hbm>>
          tpu.wait_dma2 semaphore(%arg21 : memref<!tpu.dma_semaphore, #tpu.memory_space<semaphore_mem>>) src(%arg18 : memref<1x64xf32, #tpu.memory_space<vmem>>) dst(%dma_wait3A_302 : memref<1x64xf32, #tpu.memory_space<hbm>>)
          %dma_wait3A_303 = arith.constant 0 : i32
          %dma_wait3A_304 = tpu.memref_slice %arg7[%sub3A_278, %dma_wait3A_303] : memref<10000x64xf32, #tpu.memory_space<hbm>> -> memref<1x64xf32, #tpu.memory_space<hbm>>
          %dma_wait3A_305 = arith.constant 0 : i32
          %dma_wait3A_306 = tpu.memref_slice %arg7[%sub3A_278, %dma_wait3A_305] : memref<10000x64xf32, #tpu.memory_space<hbm>> -> memref<1x64xf32, #tpu.memory_space<hbm>>
          tpu.wait_dma2 semaphore(%arg21 : memref<!tpu.dma_semaphore, #tpu.memory_space<semaphore_mem>>) src(%arg19 : memref<1x64xf32, #tpu.memory_space<vmem>>) dst(%dma_wait3A_306 : memref<1x64xf32, #tpu.memory_space<hbm>>)
        } else {
        }
        %add3A_89 = vector.broadcast %mul3A_66 : i32 to vector<16xi32>
        %add3A_90 = arith.addi %scan3A_83#4, %add3A_89 : vector<16xi32>
        %swap3A = arith.constant 0 : index
        %swap3A_91 = tpu.vector_load %arg14[%swap3A] {strides = array<i32>} : memref<64xi32, #tpu.memory_space<vmem>>, vector<16xi32>,
        tpu.vector_store %arg14[%swap3A], %add3A_90 {strides = array<i32>} : memref<64xi32, #tpu.memory_space<vmem>>, vector<16xi32>,
        %add3A_92 = vector.broadcast %mul3A_66 : i32 to vector<16xi32>
        %add3A_93 = arith.addi %scan3A_83#5, %add3A_92 : vector<16xi32>
        %swap3A_94 = arith.constant 16 : index
        %swap3A_95 = tpu.vector_load %arg14[%swap3A_94] {strides = array<i32>} : memref<64xi32, #tpu.memory_space<vmem>>, vector<16xi32>,
        tpu.vector_store %arg14[%swap3A_94], %add3A_93 {strides = array<i32>} : memref<64xi32, #tpu.memory_space<vmem>>, vector<16xi32>,
        %add3A_96 = vector.broadcast %mul3A_66 : i32 to vector<16xi32>
        %add3A_97 = arith.addi %scan3A_83#6, %add3A_96 : vector<16xi32>
        %swap3A_98 = arith.constant 32 : index
        %swap3A_99 = tpu.vector_load %arg14[%swap3A_98] {strides = array<i32>} : memref<64xi32, #tpu.memory_space<vmem>>, vector<16xi32>,
        tpu.vector_store %arg14[%swap3A_98], %add3A_97 {strides = array<i32>} : memref<64xi32, #tpu.memory_space<vmem>>, vector<16xi32>,
        %add3A_100 = vector.broadcast %mul3A_66 : i32 to vector<16xi32>
        %add3A_101 = arith.addi %scan3A_83#7, %add3A_100 : vector<16xi32>
        %swap3A_102 = arith.constant 48 : index
        %swap3A_103 = tpu.vector_load %arg14[%swap3A_102] {strides = array<i32>} : memref<64xi32, #tpu.memory_space<vmem>>, vector<16xi32>,
        tpu.vector_store %arg14[%swap3A_102], %add3A_101 {strides = array<i32>} : memref<64xi32, #tpu.memory_space<vmem>>, vector<16xi32>,
        %dma_start3A = arith.constant 0 : i32
        %dma_start3A_104 = arith.constant 0 : i32
        %dma_start3A_105 = tpu.memref_slice %arg3[%dma_start3A, %dma_start3A_104] : memref<10240x64xf32, #tpu.memory_space<hbm>> -> memref<10240x64xf32, #tpu.memory_space<hbm>>
        tpu.enqueue_indirect_dma source(%dma_start3A_105 : memref<10240x64xf32, #tpu.memory_space<hbm>>) target(%arg17 : memref<64x64xf32, #tpu.memory_space<vmem>>) offsets(%arg14 : memref<64xi32, #tpu.memory_space<vmem>>) semaphore(%arg20 : memref<!tpu.dma_semaphore, #tpu.memory_space<semaphore_mem>>)
        %add3A_106 = arith.addf %scan3A_83#0, %gather3A_74 : vector<16xf32>
        %max3A = arith.constant 0.000000e+00 : f32
        %max3A_107 = vector.broadcast %max3A : f32 to vector<16xf32>
        %max3A_108 = arith.maximumf %add3A_106, %max3A_107 : vector<16xf32>
        %mul3A_109 = arith.constant -1.000000e+01 : f32
        %mul3A_110 = vector.broadcast %mul3A_109 : f32 to vector<16xf32>
        %mul3A_111 = arith.mulf %max3A_108, %mul3A_110 : vector<16xf32>
        %exp3A = math.exp %mul3A_111 : vector<16xf32>
        %swap3A_112 = arith.constant 0 : i32
        %swap3A_113 = arith.index_cast %swap3A_112 : i32 to index
        %swap3A_114 = arith.constant 0 : index
        %swap3A_115 = tpu.vector_load %arg15[%swap3A_113, %swap3A_114] {strides = array<i32>} : memref<1x64xf32, #tpu.memory_space<vmem>>, vector<16xf32>,
        tpu.vector_store %arg15[%swap3A_113, %swap3A_114], %max3A_108 {strides = array<i32>} : memref<1x64xf32, #tpu.memory_space<vmem>>, vector<16xf32>,
        %swap3A_116 = arith.constant 0 : index
        %swap3A_117 = tpu.vector_load %arg16[%swap3A_116] {strides = array<i32>} : memref<64xf32, #tpu.memory_space<vmem>>, vector<16xf32>,
        tpu.vector_store %arg16[%swap3A_116], %exp3A {strides = array<i32>} : memref<64xf32, #tpu.memory_space<vmem>>, vector<16xf32>,
        %mul3A_118 = arith.constant 2500 : i32
        %mul3A_119 = arith.muli %select_n3A, %mul3A_118 : i32
        %add3A_120 = vector.broadcast %mul3A_119 : i32 to vector<16xi32>
        %add3A_121 = arith.addi %scan3A_83#4, %add3A_120 : vector<16xi32>
        %swap3A_122 = arith.constant 0 : i32
        %swap3A_123 = arith.index_cast %swap3A_122 : i32 to index
        %swap3A_124 = arith.constant 0 : index
        %swap3A_125 = tpu.vector_load %arg13[%swap3A_123, %swap3A_124] {strides = array<i32>} : memref<1x64xi32, #tpu.memory_space<vmem>>, vector<16xi32>,
        tpu.vector_store %arg13[%swap3A_123, %swap3A_124], %add3A_121 {strides = array<i32>} : memref<1x64xi32, #tpu.memory_space<vmem>>, vector<16xi32>,
        %add3A_126 = arith.addf %scan3A_83#1, %gather3A_74 : vector<16xf32>
        %max3A_127 = arith.constant 0.000000e+00 : f32
        %max3A_128 = vector.broadcast %max3A_127 : f32 to vector<16xf32>
        %max3A_129 = arith.maximumf %add3A_126, %max3A_128 : vector<16xf32>
        %mul3A_130 = arith.constant -1.000000e+01 : f32
        %mul3A_131 = vector.broadcast %mul3A_130 : f32 to vector<16xf32>
        %mul3A_132 = arith.mulf %max3A_129, %mul3A_131 : vector<16xf32>
        %exp3A_133 = math.exp %mul3A_132 : vector<16xf32>
        %swap3A_134 = arith.constant 0 : i32
        %swap3A_135 = arith.index_cast %swap3A_134 : i32 to index
        %swap3A_136 = arith.constant 16 : index
        %swap3A_137 = tpu.vector_load %arg15[%swap3A_135, %swap3A_136] {strides = array<i32>} : memref<1x64xf32, #tpu.memory_space<vmem>>, vector<16xf32>,
        tpu.vector_store %arg15[%swap3A_135, %swap3A_136], %max3A_129 {strides = array<i32>} : memref<1x64xf32, #tpu.memory_space<vmem>>, vector<16xf32>,
        %swap3A_138 = arith.constant 16 : index
        %swap3A_139 = tpu.vector_load %arg16[%swap3A_138] {strides = array<i32>} : memref<64xf32, #tpu.memory_space<vmem>>, vector<16xf32>,
        tpu.vector_store %arg16[%swap3A_138], %exp3A_133 {strides = array<i32>} : memref<64xf32, #tpu.memory_space<vmem>>, vector<16xf32>,
        %mul3A_140 = arith.constant 2500 : i32
        %mul3A_141 = arith.muli %select_n3A, %mul3A_140 : i32
        %add3A_142 = vector.broadcast %mul3A_141 : i32 to vector<16xi32>
        %add3A_143 = arith.addi %scan3A_83#5, %add3A_142 : vector<16xi32>
        %swap3A_144 = arith.constant 0 : i32
        %swap3A_145 = arith.index_cast %swap3A_144 : i32 to index
        %swap3A_146 = arith.constant 16 : index
        %swap3A_147 = tpu.vector_load %arg13[%swap3A_145, %swap3A_146] {strides = array<i32>} : memref<1x64xi32, #tpu.memory_space<vmem>>, vector<16xi32>,
        tpu.vector_store %arg13[%swap3A_145, %swap3A_146], %add3A_143 {strides = array<i32>} : memref<1x64xi32, #tpu.memory_space<vmem>>, vector<16xi32>,
        %add3A_148 = arith.addf %scan3A_83#2, %gather3A_74 : vector<16xf32>
        %max3A_149 = arith.constant 0.000000e+00 : f32
        %max3A_150 = vector.broadcast %max3A_149 : f32 to vector<16xf32>
        %max3A_151 = arith.maximumf %add3A_148, %max3A_150 : vector<16xf32>
        %mul3A_152 = arith.constant -1.000000e+01 : f32
        %mul3A_153 = vector.broadcast %mul3A_152 : f32 to vector<16xf32>
        %mul3A_154 = arith.mulf %max3A_151, %mul3A_153 : vector<16xf32>
        %exp3A_155 = math.exp %mul3A_154 : vector<16xf32>
        %swap3A_156 = arith.constant 0 : i32
        %swap3A_157 = arith.index_cast %swap3A_156 : i32 to index
        %swap3A_158 = arith.constant 32 : index
        %swap3A_159 = tpu.vector_load %arg15[%swap3A_157, %swap3A_158] {strides = array<i32>} : memref<1x64xf32, #tpu.memory_space<vmem>>, vector<16xf32>,
        tpu.vector_store %arg15[%swap3A_157, %swap3A_158], %max3A_151 {strides = array<i32>} : memref<1x64xf32, #tpu.memory_space<vmem>>, vector<16xf32>,
        %swap3A_160 = arith.constant 32 : index
        %swap3A_161 = tpu.vector_load %arg16[%swap3A_160] {strides = array<i32>} : memref<64xf32, #tpu.memory_space<vmem>>, vector<16xf32>,
        tpu.vector_store %arg16[%swap3A_160], %exp3A_155 {strides = array<i32>} : memref<64xf32, #tpu.memory_space<vmem>>, vector<16xf32>,
        %mul3A_162 = arith.constant 2500 : i32
        %mul3A_163 = arith.muli %select_n3A, %mul3A_162 : i32
        %add3A_164 = vector.broadcast %mul3A_163 : i32 to vector<16xi32>
        %add3A_165 = arith.addi %scan3A_83#6, %add3A_164 : vector<16xi32>
        %swap3A_166 = arith.constant 0 : i32
        %swap3A_167 = arith.index_cast %swap3A_166 : i32 to index
        %swap3A_168 = arith.constant 32 : index
        %swap3A_169 = tpu.vector_load %arg13[%swap3A_167, %swap3A_168] {strides = array<i32>} : memref<1x64xi32, #tpu.memory_space<vmem>>, vector<16xi32>,
        tpu.vector_store %arg13[%swap3A_167, %swap3A_168], %add3A_165 {strides = array<i32>} : memref<1x64xi32, #tpu.memory_space<vmem>>, vector<16xi32>,
        %add3A_170 = arith.addf %scan3A_83#3, %gather3A_74 : vector<16xf32>
        %max3A_171 = arith.constant 0.000000e+00 : f32
        %max3A_172 = vector.broadcast %max3A_171 : f32 to vector<16xf32>
        %max3A_173 = arith.maximumf %add3A_170, %max3A_172 : vector<16xf32>
        %mul3A_174 = arith.constant -1.000000e+01 : f32
        %mul3A_175 = vector.broadcast %mul3A_174 : f32 to vector<16xf32>
        %mul3A_176 = arith.mulf %max3A_173, %mul3A_175 : vector<16xf32>
        %exp3A_177 = math.exp %mul3A_176 : vector<16xf32>
        %swap3A_178 = arith.constant 0 : i32
        %swap3A_179 = arith.index_cast %swap3A_178 : i32 to index
        %swap3A_180 = arith.constant 48 : index
        %swap3A_181 = tpu.vector_load %arg15[%swap3A_179, %swap3A_180] {strides = array<i32>} : memref<1x64xf32, #tpu.memory_space<vmem>>, vector<16xf32>,
        tpu.vector_store %arg15[%swap3A_179, %swap3A_180], %max3A_173 {strides = array<i32>} : memref<1x64xf32, #tpu.memory_space<vmem>>, vector<16xf32>,
        %swap3A_182 = arith.constant 48 : index
        %swap3A_183 = tpu.vector_load %arg16[%swap3A_182] {strides = array<i32>} : memref<64xf32, #tpu.memory_space<vmem>>, vector<16xf32>,
        tpu.vector_store %arg16[%swap3A_182], %exp3A_177 {strides = array<i32>} : memref<64xf32, #tpu.memory_space<vmem>>, vector<16xf32>,
        %mul3A_184 = arith.constant 2500 : i32
        %mul3A_185 = arith.muli %select_n3A, %mul3A_184 : i32
        %add3A_186 = vector.broadcast %mul3A_185 : i32 to vector<16xi32>
        %add3A_187 = arith.addi %scan3A_83#7, %add3A_186 : vector<16xi32>
        %swap3A_188 = arith.constant 0 : i32
        %swap3A_189 = arith.index_cast %swap3A_188 : i32 to index
        %swap3A_190 = arith.constant 48 : index
        %swap3A_191 = tpu.vector_load %arg13[%swap3A_189, %swap3A_190] {strides = array<i32>} : memref<1x64xi32, #tpu.memory_space<vmem>>, vector<16xi32>,
        tpu.vector_store %arg13[%swap3A_189, %swap3A_190], %add3A_187 {strides = array<i32>} : memref<1x64xi32, #tpu.memory_space<vmem>>, vector<16xi32>,
        %dma_wait3A_192 = arith.constant 0 : i32
        %dma_wait3A_193 = arith.constant 0 : i32
        %dma_wait3A_194 = tpu.memref_slice %arg3[%dma_wait3A_192, %dma_wait3A_193] : memref<10240x64xf32, #tpu.memory_space<hbm>> -> memref<10240x64xf32, #tpu.memory_space<hbm>>
        tpu.wait_indirect_dma semaphore(%arg20 : memref<!tpu.dma_semaphore, #tpu.memory_space<semaphore_mem>>) src(%dma_wait3A_194 : memref<10240x64xf32, #tpu.memory_space<hbm>>) dst(%arg17 : memref<64x64xf32, #tpu.memory_space<vmem>>)
        %broadcast_in_dim3A_195 = arith.constant 0.000000e+00 : f32
        %broadcast_in_dim3A_196 = vector.broadcast %broadcast_in_dim3A_195 : f32 to vector<16xf32>
        %broadcast_in_dim3A_197 = arith.constant 0xFF800000 : f32
        %broadcast_in_dim3A_198 = vector.broadcast %broadcast_in_dim3A_197 : f32 to vector<16xf32>
        %scan3A_199 = arith.constant 0 : i32
        %scan3A_200 = arith.constant 10 : i32
        %scan3A_201 = arith.addi %scan3A_199, %scan3A_200 : i32
        %scan3A_202 = arith.constant 1 : i32
        %scan3A_203:8 = scf.for %scan3A_277 = %scan3A_199 to %scan3A_201 step %scan3A_202 iter_args(%scan3A_278 = %broadcast_in_dim3A_196, %scan3A_279 = %broadcast_in_dim3A_196, %scan3A_280 = %broadcast_in_dim3A_196, %scan3A_281 = %broadcast_in_dim3A_196, %scan3A_282 = %broadcast_in_dim3A_198, %scan3A_283 = %broadcast_in_dim3A_198, %scan3A_284 = %broadcast_in_dim3A_198, %scan3A_285 = %broadcast_in_dim3A_198) -> (vector<16xf32>, vector<16xf32>, vector<16xf32>, vector<16xf32>, vector<16xf32>, vector<16xf32>, vector<16xf32>, vector<16xf32>)  : i32 {
          %mul3A_286 = arith.constant 5 : i32
          %mul3A_287 = arith.muli %scan3A_277, %mul3A_286 : i32
          %add3A_288 = arith.constant 0 : i32
          %add3A_289 = arith.addi %mul3A_287, %add3A_288 : i32
          %broadcast_in_dim3A_290 = vector.broadcast %add3A_289 : i32 to vector<16xi32>
          %gather3A_291 = tpu.vector_load_idx %arg16[%broadcast_in_dim3A_290] : memref<64xf32, #tpu.memory_space<vmem>>[vector<16xi32>], vector<16xf32>,
          %get3A = arith.index_cast %add3A_289 : i32 to index
          %get3A_292 = arith.constant 0 : index
          %get3A_293 = tpu.vector_load %arg17[%get3A, %get3A_292] {strides = array<i32>} : memref<64x64xf32, #tpu.memory_space<vmem>>, vector<16xf32>,
          %mul3A_294 = arith.mulf %get3A_293, %gather3A_291 : vector<16xf32>
          %add3A_295 = arith.addf %scan3A_278, %mul3A_294 : vector<16xf32>
          %max3A_296 = arith.maximumf %scan3A_282, %mul3A_294 : vector<16xf32>
          %get3A_297 = arith.index_cast %add3A_289 : i32 to index
          %get3A_298 = arith.constant 16 : index
          %get3A_299 = tpu.vector_load %arg17[%get3A_297, %get3A_298] {strides = array<i32>} : memref<64x64xf32, #tpu.memory_space<vmem>>, vector<16xf32>,
          %mul3A_300 = arith.mulf %get3A_299, %gather3A_291 : vector<16xf32>
          %add3A_301 = arith.addf %scan3A_279, %mul3A_300 : vector<16xf32>
          %max3A_302 = arith.maximumf %scan3A_283, %mul3A_300 : vector<16xf32>
          %get3A_303 = arith.index_cast %add3A_289 : i32 to index
          %get3A_304 = arith.constant 32 : index
          %get3A_305 = tpu.vector_load %arg17[%get3A_303, %get3A_304] {strides = array<i32>} : memref<64x64xf32, #tpu.memory_space<vmem>>, vector<16xf32>,
          %mul3A_306 = arith.mulf %get3A_305, %gather3A_291 : vector<16xf32>
          %add3A_307 = arith.addf %scan3A_280, %mul3A_306 : vector<16xf32>
          %max3A_308 = arith.maximumf %scan3A_284, %mul3A_306 : vector<16xf32>
          %get3A_309 = arith.index_cast %add3A_289 : i32 to index
          %get3A_310 = arith.constant 48 : index
          %get3A_311 = tpu.vector_load %arg17[%get3A_309, %get3A_310] {strides = array<i32>} : memref<64x64xf32, #tpu.memory_space<vmem>>, vector<16xf32>,
          %mul3A_312 = arith.mulf %get3A_311, %gather3A_291 : vector<16xf32>
          %add3A_313 = arith.addf %scan3A_281, %mul3A_312 : vector<16xf32>
          %max3A_314 = arith.maximumf %scan3A_285, %mul3A_312 : vector<16xf32>
          %mul3A_315 = arith.constant 5 : i32
          %mul3A_316 = arith.muli %scan3A_277, %mul3A_315 : i32
          %add3A_317 = arith.constant 1 : i32
          %add3A_318 = arith.addi %mul3A_316, %add3A_317 : i32
          %broadcast_in_dim3A_319 = vector.broadcast %add3A_318 : i32 to vector<16xi32>
          %gather3A_320 = tpu.vector_load_idx %arg16[%broadcast_in_dim3A_319] : memref<64xf32, #tpu.memory_space<vmem>>[vector<16xi32>], vector<16xf32>,
          %get3A_321 = arith.index_cast %add3A_318 : i32 to index
          %get3A_322 = arith.constant 0 : index
          %get3A_323 = tpu.vector_load %arg17[%get3A_321, %get3A_322] {strides = array<i32>} : memref<64x64xf32, #tpu.memory_space<vmem>>, vector<16xf32>,
          %mul3A_324 = arith.mulf %get3A_323, %gather3A_320 : vector<16xf32>
          %add3A_325 = arith.addf %add3A_295, %mul3A_324 : vector<16xf32>
          %max3A_326 = arith.maximumf %max3A_296, %mul3A_324 : vector<16xf32>
          %get3A_327 = arith.index_cast %add3A_318 : i32 to index
          %get3A_328 = arith.constant 16 : index
          %get3A_329 = tpu.vector_load %arg17[%get3A_327, %get3A_328] {strides = array<i32>} : memref<64x64xf32, #tpu.memory_space<vmem>>, vector<16xf32>,
          %mul3A_330 = arith.mulf %get3A_329, %gather3A_320 : vector<16xf32>
          %add3A_331 = arith.addf %add3A_301, %mul3A_330 : vector<16xf32>
          %max3A_332 = arith.maximumf %max3A_302, %mul3A_330 : vector<16xf32>
          %get3A_333 = arith.index_cast %add3A_318 : i32 to index
          %get3A_334 = arith.constant 32 : index
          %get3A_335 = tpu.vector_load %arg17[%get3A_333, %get3A_334] {strides = array<i32>} : memref<64x64xf32, #tpu.memory_space<vmem>>, vector<16xf32>,
          %mul3A_336 = arith.mulf %get3A_335, %gather3A_320 : vector<16xf32>
          %add3A_337 = arith.addf %add3A_307, %mul3A_336 : vector<16xf32>
          %max3A_338 = arith.maximumf %max3A_308, %mul3A_336 : vector<16xf32>
          %get3A_339 = arith.index_cast %add3A_318 : i32 to index
          %get3A_340 = arith.constant 48 : index
          %get3A_341 = tpu.vector_load %arg17[%get3A_339, %get3A_340] {strides = array<i32>} : memref<64x64xf32, #tpu.memory_space<vmem>>, vector<16xf32>,
          %mul3A_342 = arith.mulf %get3A_341, %gather3A_320 : vector<16xf32>
          %add3A_343 = arith.addf %add3A_313, %mul3A_342 : vector<16xf32>
          %max3A_344 = arith.maximumf %max3A_314, %mul3A_342 : vector<16xf32>
          %mul3A_345 = arith.constant 5 : i32
          %mul3A_346 = arith.muli %scan3A_277, %mul3A_345 : i32
          %add3A_347 = arith.constant 2 : i32
          %add3A_348 = arith.addi %mul3A_346, %add3A_347 : i32
          %broadcast_in_dim3A_349 = vector.broadcast %add3A_348 : i32 to vector<16xi32>
          %gather3A_350 = tpu.vector_load_idx %arg16[%broadcast_in_dim3A_349] : memref<64xf32, #tpu.memory_space<vmem>>[vector<16xi32>], vector<16xf32>,
          %get3A_351 = arith.index_cast %add3A_348 : i32 to index
          %get3A_352 = arith.constant 0 : index
          %get3A_353 = tpu.vector_load %arg17[%get3A_351, %get3A_352] {strides = array<i32>} : memref<64x64xf32, #tpu.memory_space<vmem>>, vector<16xf32>,
          %mul3A_354 = arith.mulf %get3A_353, %gather3A_350 : vector<16xf32>
          %add3A_355 = arith.addf %add3A_325, %mul3A_354 : vector<16xf32>
          %max3A_356 = arith.maximumf %max3A_326, %mul3A_354 : vector<16xf32>
          %get3A_357 = arith.index_cast %add3A_348 : i32 to index
          %get3A_358 = arith.constant 16 : index
          %get3A_359 = tpu.vector_load %arg17[%get3A_357, %get3A_358] {strides = array<i32>} : memref<64x64xf32, #tpu.memory_space<vmem>>, vector<16xf32>,
          %mul3A_360 = arith.mulf %get3A_359, %gather3A_350 : vector<16xf32>
          %add3A_361 = arith.addf %add3A_331, %mul3A_360 : vector<16xf32>
          %max3A_362 = arith.maximumf %max3A_332, %mul3A_360 : vector<16xf32>
          %get3A_363 = arith.index_cast %add3A_348 : i32 to index
          %get3A_364 = arith.constant 32 : index
          %get3A_365 = tpu.vector_load %arg17[%get3A_363, %get3A_364] {strides = array<i32>} : memref<64x64xf32, #tpu.memory_space<vmem>>, vector<16xf32>,
          %mul3A_366 = arith.mulf %get3A_365, %gather3A_350 : vector<16xf32>
          %add3A_367 = arith.addf %add3A_337, %mul3A_366 : vector<16xf32>
          %max3A_368 = arith.maximumf %max3A_338, %mul3A_366 : vector<16xf32>
          %get3A_369 = arith.index_cast %add3A_348 : i32 to index
          %get3A_370 = arith.constant 48 : index
          %get3A_371 = tpu.vector_load %arg17[%get3A_369, %get3A_370] {strides = array<i32>} : memref<64x64xf32, #tpu.memory_space<vmem>>, vector<16xf32>,
          %mul3A_372 = arith.mulf %get3A_371, %gather3A_350 : vector<16xf32>
          %add3A_373 = arith.addf %add3A_343, %mul3A_372 : vector<16xf32>
          %max3A_374 = arith.maximumf %max3A_344, %mul3A_372 : vector<16xf32>
          %mul3A_375 = arith.constant 5 : i32
          %mul3A_376 = arith.muli %scan3A_277, %mul3A_375 : i32
          %add3A_377 = arith.constant 3 : i32
          %add3A_378 = arith.addi %mul3A_376, %add3A_377 : i32
          %broadcast_in_dim3A_379 = vector.broadcast %add3A_378 : i32 to vector<16xi32>
          %gather3A_380 = tpu.vector_load_idx %arg16[%broadcast_in_dim3A_379] : memref<64xf32, #tpu.memory_space<vmem>>[vector<16xi32>], vector<16xf32>,
          %get3A_381 = arith.index_cast %add3A_378 : i32 to index
          %get3A_382 = arith.constant 0 : index
          %get3A_383 = tpu.vector_load %arg17[%get3A_381, %get3A_382] {strides = array<i32>} : memref<64x64xf32, #tpu.memory_space<vmem>>, vector<16xf32>,
          %mul3A_384 = arith.mulf %get3A_383, %gather3A_380 : vector<16xf32>
          %add3A_385 = arith.addf %add3A_355, %mul3A_384 : vector<16xf32>
          %max3A_386 = arith.maximumf %max3A_356, %mul3A_384 : vector<16xf32>
          %get3A_387 = arith.index_cast %add3A_378 : i32 to index
          %get3A_388 = arith.constant 16 : index
          %get3A_389 = tpu.vector_load %arg17[%get3A_387, %get3A_388] {strides = array<i32>} : memref<64x64xf32, #tpu.memory_space<vmem>>, vector<16xf32>,
          %mul3A_390 = arith.mulf %get3A_389, %gather3A_380 : vector<16xf32>
          %add3A_391 = arith.addf %add3A_361, %mul3A_390 : vector<16xf32>
          %max3A_392 = arith.maximumf %max3A_362, %mul3A_390 : vector<16xf32>
          %get3A_393 = arith.index_cast %add3A_378 : i32 to index
          %get3A_394 = arith.constant 32 : index
          %get3A_395 = tpu.vector_load %arg17[%get3A_393, %get3A_394] {strides = array<i32>} : memref<64x64xf32, #tpu.memory_space<vmem>>, vector<16xf32>,
          %mul3A_396 = arith.mulf %get3A_395, %gather3A_380 : vector<16xf32>
          %add3A_397 = arith.addf %add3A_367, %mul3A_396 : vector<16xf32>
          %max3A_398 = arith.maximumf %max3A_368, %mul3A_396 : vector<16xf32>
          %get3A_399 = arith.index_cast %add3A_378 : i32 to index
          %get3A_400 = arith.constant 48 : index
          %get3A_401 = tpu.vector_load %arg17[%get3A_399, %get3A_400] {strides = array<i32>} : memref<64x64xf32, #tpu.memory_space<vmem>>, vector<16xf32>,
          %mul3A_402 = arith.mulf %get3A_401, %gather3A_380 : vector<16xf32>
          %add3A_403 = arith.addf %add3A_373, %mul3A_402 : vector<16xf32>
          %max3A_404 = arith.maximumf %max3A_374, %mul3A_402 : vector<16xf32>
          %mul3A_405 = arith.constant 5 : i32
          %mul3A_406 = arith.muli %scan3A_277, %mul3A_405 : i32
          %add3A_407 = arith.constant 4 : i32
          %add3A_408 = arith.addi %mul3A_406, %add3A_407 : i32
          %broadcast_in_dim3A_409 = vector.broadcast %add3A_408 : i32 to vector<16xi32>
          %gather3A_410 = tpu.vector_load_idx %arg16[%broadcast_in_dim3A_409] : memref<64xf32, #tpu.memory_space<vmem>>[vector<16xi32>], vector<16xf32>,
          %get3A_411 = arith.index_cast %add3A_408 : i32 to index
          %get3A_412 = arith.constant 0 : index
          %get3A_413 = tpu.vector_load %arg17[%get3A_411, %get3A_412] {strides = array<i32>} : memref<64x64xf32, #tpu.memory_space<vmem>>, vector<16xf32>,
          %mul3A_414 = arith.mulf %get3A_413, %gather3A_410 : vector<16xf32>
          %add3A_415 = arith.addf %add3A_385, %mul3A_414 : vector<16xf32>
          %max3A_416 = arith.maximumf %max3A_386, %mul3A_414 : vector<16xf32>
          %get3A_417 = arith.index_cast %add3A_408 : i32 to index
          %get3A_418 = arith.constant 16 : index
          %get3A_419 = tpu.vector_load %arg17[%get3A_417, %get3A_418] {strides = array<i32>} : memref<64x64xf32, #tpu.memory_space<vmem>>, vector<16xf32>,
          %mul3A_420 = arith.mulf %get3A_419, %gather3A_410 : vector<16xf32>
          %add3A_421 = arith.addf %add3A_391, %mul3A_420 : vector<16xf32>
          %max3A_422 = arith.maximumf %max3A_392, %mul3A_420 : vector<16xf32>
          %get3A_423 = arith.index_cast %add3A_408 : i32 to index
          %get3A_424 = arith.constant 32 : index
          %get3A_425 = tpu.vector_load %arg17[%get3A_423, %get3A_424] {strides = array<i32>} : memref<64x64xf32, #tpu.memory_space<vmem>>, vector<16xf32>,
          %mul3A_426 = arith.mulf %get3A_425, %gather3A_410 : vector<16xf32>
          %add3A_427 = arith.addf %add3A_397, %mul3A_426 : vector<16xf32>
          %max3A_428 = arith.maximumf %max3A_398, %mul3A_426 : vector<16xf32>
          %get3A_429 = arith.index_cast %add3A_408 : i32 to index
          %get3A_430 = arith.constant 48 : index
          %get3A_431 = tpu.vector_load %arg17[%get3A_429, %get3A_430] {strides = array<i32>} : memref<64x64xf32, #tpu.memory_space<vmem>>, vector<16xf32>,
          %mul3A_432 = arith.mulf %get3A_431, %gather3A_410 : vector<16xf32>
          %add3A_433 = arith.addf %add3A_403, %mul3A_432 : vector<16xf32>
          %max3A_434 = arith.maximumf %max3A_404, %mul3A_432 : vector<16xf32>
          scf.yield %add3A_415, %add3A_421, %add3A_427, %add3A_433, %max3A_416, %max3A_422, %max3A_428, %max3A_434 : vector<16xf32>, vector<16xf32>, vector<16xf32>, vector<16xf32>, vector<16xf32>, vector<16xf32>, vector<16xf32>, vector<16xf32>
        }
        %scan3A_204 = arith.constant 10 : i32
        %mul3A_205 = arith.constant 2.000000e-02 : f32
        %mul3A_206 = vector.broadcast %mul3A_205 : f32 to vector<16xf32>
        %mul3A_207 = arith.mulf %scan3A_203#0, %mul3A_206 : vector<16xf32>
        %swap3A_208 = arith.constant 0 : i32
        %swap3A_209 = arith.index_cast %swap3A_208 : i32 to index
        %swap3A_210 = arith.constant 0 : index
        %swap3A_211 = tpu.vector_load %arg18[%swap3A_209, %swap3A_210] {strides = array<i32>} : memref<1x64xf32, #tpu.memory_space<vmem>>, vector<16xf32>,
        tpu.vector_store %arg18[%swap3A_209, %swap3A_210], %mul3A_207 {strides = array<i32>} : memref<1x64xf32, #tpu.memory_space<vmem>>, vector<16xf32>,
        %swap3A_212 = arith.constant 0 : i32
        %swap3A_213 = arith.index_cast %swap3A_212 : i32 to index
        %swap3A_214 = arith.constant 0 : index
        %swap3A_215 = tpu.vector_load %arg19[%swap3A_213, %swap3A_214] {strides = array<i32>} : memref<1x64xf32, #tpu.memory_space<vmem>>, vector<16xf32>,
        tpu.vector_store %arg19[%swap3A_213, %swap3A_214], %scan3A_203#4 {strides = array<i32>} : memref<1x64xf32, #tpu.memory_space<vmem>>, vector<16xf32>,
        %mul3A_216 = arith.constant 2.000000e-02 : f32
        %mul3A_217 = vector.broadcast %mul3A_216 : f32 to vector<16xf32>
        %mul3A_218 = arith.mulf %scan3A_203#1, %mul3A_217 : vector<16xf32>
        %swap3A_219 = arith.constant 0 : i32
        %swap3A_220 = arith.index_cast %swap3A_219 : i32 to index
        %swap3A_221 = arith.constant 16 : index
        %swap3A_222 = tpu.vector_load %arg18[%swap3A_220, %swap3A_221] {strides = array<i32>} : memref<1x64xf32, #tpu.memory_space<vmem>>, vector<16xf32>,
        tpu.vector_store %arg18[%swap3A_220, %swap3A_221], %mul3A_218 {strides = array<i32>} : memref<1x64xf32, #tpu.memory_space<vmem>>, vector<16xf32>,
        %swap3A_223 = arith.constant 0 : i32
        %swap3A_224 = arith.index_cast %swap3A_223 : i32 to index
        %swap3A_225 = arith.constant 16 : index
        %swap3A_226 = tpu.vector_load %arg19[%swap3A_224, %swap3A_225] {strides = array<i32>} : memref<1x64xf32, #tpu.memory_space<vmem>>, vector<16xf32>,
        tpu.vector_store %arg19[%swap3A_224, %swap3A_225], %scan3A_203#5 {strides = array<i32>} : memref<1x64xf32, #tpu.memory_space<vmem>>, vector<16xf32>,
        %mul3A_227 = arith.constant 2.000000e-02 : f32
        %mul3A_228 = vector.broadcast %mul3A_227 : f32 to vector<16xf32>
        %mul3A_229 = arith.mulf %scan3A_203#2, %mul3A_228 : vector<16xf32>
        %swap3A_230 = arith.constant 0 : i32
        %swap3A_231 = arith.index_cast %swap3A_230 : i32 to index
        %swap3A_232 = arith.constant 32 : index
        %swap3A_233 = tpu.vector_load %arg18[%swap3A_231, %swap3A_232] {strides = array<i32>} : memref<1x64xf32, #tpu.memory_space<vmem>>, vector<16xf32>,
        tpu.vector_store %arg18[%swap3A_231, %swap3A_232], %mul3A_229 {strides = array<i32>} : memref<1x64xf32, #tpu.memory_space<vmem>>, vector<16xf32>,
        %swap3A_234 = arith.constant 0 : i32
        %swap3A_235 = arith.index_cast %swap3A_234 : i32 to index
        %swap3A_236 = arith.constant 32 : index
        %swap3A_237 = tpu.vector_load %arg19[%swap3A_235, %swap3A_236] {strides = array<i32>} : memref<1x64xf32, #tpu.memory_space<vmem>>, vector<16xf32>,
        tpu.vector_store %arg19[%swap3A_235, %swap3A_236], %scan3A_203#6 {strides = array<i32>} : memref<1x64xf32, #tpu.memory_space<vmem>>, vector<16xf32>,
        %mul3A_238 = arith.constant 2.000000e-02 : f32
        %mul3A_239 = vector.broadcast %mul3A_238 : f32 to vector<16xf32>
        %mul3A_240 = arith.mulf %scan3A_203#3, %mul3A_239 : vector<16xf32>
        %swap3A_241 = arith.constant 0 : i32
        %swap3A_242 = arith.index_cast %swap3A_241 : i32 to index
        %swap3A_243 = arith.constant 48 : index
        %swap3A_244 = tpu.vector_load %arg18[%swap3A_242, %swap3A_243] {strides = array<i32>} : memref<1x64xf32, #tpu.memory_space<vmem>>, vector<16xf32>,
        tpu.vector_store %arg18[%swap3A_242, %swap3A_243], %mul3A_240 {strides = array<i32>} : memref<1x64xf32, #tpu.memory_space<vmem>>, vector<16xf32>,
        %swap3A_245 = arith.constant 0 : i32
        %swap3A_246 = arith.index_cast %swap3A_245 : i32 to index
        %swap3A_247 = arith.constant 48 : index
        %swap3A_248 = tpu.vector_load %arg19[%swap3A_246, %swap3A_247] {strides = array<i32>} : memref<1x64xf32, #tpu.memory_space<vmem>>, vector<16xf32>,
        tpu.vector_store %arg19[%swap3A_246, %swap3A_247], %scan3A_203#7 {strides = array<i32>} : memref<1x64xf32, #tpu.memory_space<vmem>>, vector<16xf32>,
        %dma_start3A_249 = arith.constant 0 : i32
        %dma_start3A_250 = arith.constant 0 : i32
        %dma_start3A_251 = tpu.memref_slice %arg13[%dma_start3A_249, %dma_start3A_250] : memref<1x64xi32, #tpu.memory_space<vmem>> -> memref<1x56xi32, #tpu.memory_space<vmem>>
        %dma_start3A_252 = arith.constant 0 : i32
        %dma_start3A_253 = tpu.memref_slice %arg4[%add3A_45, %dma_start3A_252] : memref<10000x56xi32, #tpu.memory_space<hbm>> -> memref<1x56xi32, #tpu.memory_space<hbm>>
        %dma_start3A_254 = arith.constant 0 : i32
        %dma_start3A_255 = tpu.memref_slice %arg4[%add3A_45, %dma_start3A_254] : memref<10000x56xi32, #tpu.memory_space<hbm>> -> memref<1x56xi32, #tpu.memory_space<hbm>>
        %dma_start3A_256 = arith.constant 0 : i32
        %dma_start3A_257 = arith.constant 0 : i32
        %dma_start3A_258 = tpu.memref_slice %arg13[%dma_start3A_256, %dma_start3A_257] : memref<1x64xi32, #tpu.memory_space<vmem>> -> memref<1x56xi32, #tpu.memory_space<vmem>>
        tpu.enqueue_dma source(%dma_start3A_258 : memref<1x56xi32, #tpu.memory_space<vmem>>) target(%dma_start3A_255 : memref<1x56xi32, #tpu.memory_space<hbm>>) target_semaphore(%arg21 : memref<!tpu.dma_semaphore, #tpu.memory_space<semaphore_mem>>)
        %dma_start3A_259 = arith.constant 0 : i32
        %dma_start3A_260 = arith.constant 0 : i32
        %dma_start3A_261 = tpu.memref_slice %arg15[%dma_start3A_259, %dma_start3A_260] : memref<1x64xf32, #tpu.memory_space<vmem>> -> memref<1x56xf32, #tpu.memory_space<vmem>>
        %dma_start3A_262 = arith.constant 0 : i32
        %dma_start3A_263 = tpu.memref_slice %arg5[%add3A_45, %dma_start3A_262] : memref<10000x56xf32, #tpu.memory_space<hbm>> -> memref<1x56xf32, #tpu.memory_space<hbm>>
        %dma_start3A_264 = arith.constant 0 : i32
        %dma_start3A_265 = tpu.memref_slice %arg5[%add3A_45, %dma_start3A_264] : memref<10000x56xf32, #tpu.memory_space<hbm>> -> memref<1x56xf32, #tpu.memory_space<hbm>>
        %dma_start3A_266 = arith.constant 0 : i32
        %dma_start3A_267 = arith.constant 0 : i32
        %dma_start3A_268 = tpu.memref_slice %arg15[%dma_start3A_266, %dma_start3A_267] : memref<1x64xf32, #tpu.memory_space<vmem>> -> memref<1x56xf32, #tpu.memory_space<vmem>>
        tpu.enqueue_dma source(%dma_start3A_268 : memref<1x56xf32, #tpu.memory_space<vmem>>) target(%dma_start3A_265 : memref<1x56xf32, #tpu.memory_space<hbm>>) target_semaphore(%arg21 : memref<!tpu.dma_semaphore, #tpu.memory_space<semaphore_mem>>)
        %dma_start3A_269 = arith.constant 0 : i32
        %dma_start3A_270 = tpu.memref_slice %arg6[%add3A_45, %dma_start3A_269] : memref<10000x64xf32, #tpu.memory_space<hbm>> -> memref<1x64xf32, #tpu.memory_space<hbm>>
        %dma_start3A_271 = arith.constant 0 : i32
        %dma_start3A_272 = tpu.memref_slice %arg6[%add3A_45, %dma_start3A_271] : memref<10000x64xf32, #tpu.memory_space<hbm>> -> memref<1x64xf32, #tpu.memory_space<hbm>>
        tpu.enqueue_dma source(%arg18 : memref<1x64xf32, #tpu.memory_space<vmem>>) target(%dma_start3A_272 : memref<1x64xf32, #tpu.memory_space<hbm>>) target_semaphore(%arg21 : memref<!tpu.dma_semaphore, #tpu.memory_space<semaphore_mem>>)
        %dma_start3A_273 = arith.constant 0 : i32
        %dma_start3A_274 = tpu.memref_slice %arg7[%add3A_45, %dma_start3A_273] : memref<10000x64xf32, #tpu.memory_space<hbm>> -> memref<1x64xf32, #tpu.memory_space<hbm>>
        %dma_start3A_275 = arith.constant 0 : i32
        %dma_start3A_276 = tpu.memref_slice %arg7[%add3A_45, %dma_start3A_275] : memref<10000x64xf32, #tpu.memory_space<hbm>> -> memref<1x64xf32, #tpu.memory_space<hbm>>
        tpu.enqueue_dma source(%arg19 : memref<1x64xf32, #tpu.memory_space<vmem>>) target(%dma_start3A_276 : memref<1x64xf32, #tpu.memory_space<hbm>>) target_semaphore(%arg21 : memref<!tpu.dma_semaphore, #tpu.memory_space<semaphore_mem>>)
      } else {
      }
    }
    %scan3A_5 = arith.constant 313 : i32
    %mul3A_6 = arith.constant 313 : i32
    %mul3A_7 = arith.muli %add3A, %mul3A_6 : i32
    %sub3A = arith.constant 10000 : i32
    %sub3A_8 = arith.subi %sub3A, %mul3A_7 : i32
    %min3A = arith.constant 313 : i32
    %min3A_9 = arith.minsi %min3A, %sub3A_8 : i32
    %mul3A_10 = arith.constant 313 : i32
    %mul3A_11 = arith.muli %add3A, %mul3A_10 : i32
    %add3A_12 = arith.addi %mul3A_11, %min3A_9 : i32
    %sub3A_13 = arith.constant 1 : i32
    %sub3A_14 = arith.subi %add3A_12, %sub3A_13 : i32
    %dma_wait3A = arith.constant 0 : i32
    %dma_wait3A_15 = arith.constant 0 : i32
    %dma_wait3A_16 = tpu.memref_slice %arg13[%dma_wait3A, %dma_wait3A_15] : memref<1x64xi32, #tpu.memory_space<vmem>> -> memref<1x56xi32, #tpu.memory_space<vmem>>
    %dma_wait3A_17 = arith.constant 0 : i32
    %dma_wait3A_18 = tpu.memref_slice %arg4[%sub3A_14, %dma_wait3A_17] : memref<10000x56xi32, #tpu.memory_space<hbm>> -> memref<1x56xi32, #tpu.memory_space<hbm>>
    %dma_wait3A_19 = arith.constant 0 : i32
    %dma_wait3A_20 = tpu.memref_slice %arg4[%sub3A_14, %dma_wait3A_19] : memref<10000x56xi32, #tpu.memory_space<hbm>> -> memref<1x56xi32, #tpu.memory_space<hbm>>
    %dma_wait3A_21 = arith.constant 0 : i32
    %dma_wait3A_22 = arith.constant 0 : i32
    %dma_wait3A_23 = tpu.memref_slice %arg13[%dma_wait3A_21, %dma_wait3A_22] : memref<1x64xi32, #tpu.memory_space<vmem>> -> memref<1x56xi32, #tpu.memory_space<vmem>>
    tpu.wait_dma2 semaphore(%arg21 : memref<!tpu.dma_semaphore, #tpu.memory_space<semaphore_mem>>) src(%dma_wait3A_23 : memref<1x56xi32, #tpu.memory_space<vmem>>) dst(%dma_wait3A_20 : memref<1x56xi32, #tpu.memory_space<hbm>>)
    %dma_wait3A_24 = arith.constant 0 : i32
    %dma_wait3A_25 = arith.constant 0 : i32
    %dma_wait3A_26 = tpu.memref_slice %arg15[%dma_wait3A_24, %dma_wait3A_25] : memref<1x64xf32, #tpu.memory_space<vmem>> -> memref<1x56xf32, #tpu.memory_space<vmem>>
    %dma_wait3A_27 = arith.constant 0 : i32
    %dma_wait3A_28 = tpu.memref_slice %arg5[%sub3A_14, %dma_wait3A_27] : memref<10000x56xf32, #tpu.memory_space<hbm>> -> memref<1x56xf32, #tpu.memory_space<hbm>>
    %dma_wait3A_29 = arith.constant 0 : i32
    %dma_wait3A_30 = tpu.memref_slice %arg5[%sub3A_14, %dma_wait3A_29] : memref<10000x56xf32, #tpu.memory_space<hbm>> -> memref<1x56xf32, #tpu.memory_space<hbm>>
    %dma_wait3A_31 = arith.constant 0 : i32
    %dma_wait3A_32 = arith.constant 0 : i32
    %dma_wait3A_33 = tpu.memref_slice %arg15[%dma_wait3A_31, %dma_wait3A_32] : memref<1x64xf32, #tpu.memory_space<vmem>> -> memref<1x56xf32, #tpu.memory_space<vmem>>
    tpu.wait_dma2 semaphore(%arg21 : memref<!tpu.dma_semaphore, #tpu.memory_space<semaphore_mem>>) src(%dma_wait3A_33 : memref<1x56xf32, #tpu.memory_space<vmem>>) dst(%dma_wait3A_30 : memref<1x56xf32, #tpu.memory_space<hbm>>)
    %dma_wait3A_34 = arith.constant 0 : i32
    %dma_wait3A_35 = tpu.memref_slice %arg6[%sub3A_14, %dma_wait3A_34] : memref<10000x64xf32, #tpu.memory_space<hbm>> -> memref<1x64xf32, #tpu.memory_space<hbm>>
    %dma_wait3A_36 = arith.constant 0 : i32
    %dma_wait3A_37 = tpu.memref_slice %arg6[%sub3A_14, %dma_wait3A_36] : memref<10000x64xf32, #tpu.memory_space<hbm>> -> memref<1x64xf32, #tpu.memory_space<hbm>>
    tpu.wait_dma2 semaphore(%arg21 : memref<!tpu.dma_semaphore, #tpu.memory_space<semaphore_mem>>) src(%arg18 : memref<1x64xf32, #tpu.memory_space<vmem>>) dst(%dma_wait3A_37 : memref<1x64xf32, #tpu.memory_space<hbm>>)
    %dma_wait3A_38 = arith.constant 0 : i32
    %dma_wait3A_39 = tpu.memref_slice %arg7[%sub3A_14, %dma_wait3A_38] : memref<10000x64xf32, #tpu.memory_space<hbm>> -> memref<1x64xf32, #tpu.memory_space<hbm>>
    %dma_wait3A_40 = arith.constant 0 : i32
    %dma_wait3A_41 = tpu.memref_slice %arg7[%sub3A_14, %dma_wait3A_40] : memref<10000x64xf32, #tpu.memory_space<hbm>> -> memref<1x64xf32, #tpu.memory_space<hbm>>
    tpu.wait_dma2 semaphore(%arg21 : memref<!tpu.dma_semaphore, #tpu.memory_space<semaphore_mem>>) src(%arg19 : memref<1x64xf32, #tpu.memory_space<vmem>>) dst(%dma_wait3A_41 : memref<1x64xf32, #tpu.memory_space<hbm>>)
    return
  }
}

module attributes {stable_mosaic.version = 14 : i64} {
  func.func @_prep_body(%arg0: i32, %arg1: memref<2560x256xf32, #tpu.memory_space<vmem>>, %arg2: memref<256x4xf32, #tpu.memory_space<vmem>>, %arg3: memref<4xf32, #tpu.memory_space<vmem>>, %arg4: memref<256x64xf32, #tpu.memory_space<vmem>>, %arg5: memref<64xf32, #tpu.memory_space<vmem>>, %arg6: memref<4x256xf32, #tpu.memory_space<vmem>>, %arg7: memref<2560x4xf32, #tpu.memory_space<vmem>>, %arg8: memref<2560x64xf32, #tpu.memory_space<vmem>>, %arg9: memref<5x2560xf32, #tpu.memory_space<vmem>>) attributes {dimension_semantics = [#tpu.dimension_semantics<arbitrary>], iteration_bounds = array<i64: 4>, scalar_prefetch = 0 : i64, scratch_operands = 0 : i64, tpu.core_type = #tpu.core_type<tc>, window_params = [{transform_indices = @transform_0, window_bounds = array<i64: 2560, 256>}, {pipeline_mode = #tpu.pipeline_mode<synchronous>, transform_indices = @transform_1, window_bounds = array<i64: 256, 4>}, {pipeline_mode = #tpu.pipeline_mode<synchronous>, transform_indices = @transform_2, window_bounds = array<i64: 4>}, {pipeline_mode = #tpu.pipeline_mode<synchronous>, transform_indices = @transform_3, window_bounds = array<i64: 256, 64>}, {pipeline_mode = #tpu.pipeline_mode<synchronous>, transform_indices = @transform_4, window_bounds = array<i64: 64>}, {pipeline_mode = #tpu.pipeline_mode<synchronous>, transform_indices = @transform_5, window_bounds = array<i64: 4, 256>}, {transform_indices = @transform_6, window_bounds = array<i64: 2560, 4>}, {transform_indices = @transform_7, window_bounds = array<i64: 2560, 64>}, {transform_indices = @transform_8, window_bounds = array<i64: 5, 2560>}]} {
    %get3A = arith.constant 0 : index
    %get3A_0 = arith.constant 0 : index
    %get3A_1 = vector.load %arg1[%get3A, %get3A_0] : memref<2560x256xf32, #tpu.memory_space<vmem>>, vector<2560x256xf32>
    %get3A_2 = arith.constant 0 : index
    %get3A_3 = arith.constant 0 : index
    %get3A_4 = vector.load %arg2[%get3A_2, %get3A_3] : memref<256x4xf32, #tpu.memory_space<vmem>>, vector<256x4xf32>
    %dot_general3A = arith.constant dense<0.000000e+00> : vector<2560x4xf32>
    %dot_general3A_5 = tpu.matmul %get3A_1, %get3A_4, %dot_general3A {dimension_numbers = #tpu.dot_dimension_numbers<[1], [0], [0], [1], [0, 0, 1, 1], [], []>, transpose_lhs_hint = false} : vector<2560x256xf32>, vector<256x4xf32>, vector<2560x4xf32> -> vector<2560x4xf32>
    %get3A_6 = arith.constant 0 : index
    %get3A_7 = vector.load %arg3[%get3A_6] : memref<4xf32, #tpu.memory_space<vmem>>, vector<4xf32>
    %broadcast_in_dim3A = vector.shape_cast %get3A_7 : vector<4xf32> to vector<1x4xf32>
    %add3A = vector.broadcast %broadcast_in_dim3A : vector<1x4xf32> to vector<2560x4xf32>
    %add3A_8 = arith.addf %dot_general3A_5, %add3A : vector<2560x4xf32>
    %swap3A = arith.constant 0 : index
    %swap3A_9 = arith.constant 0 : index
    %swap3A_10 = vector.load %arg7[%swap3A, %swap3A_9] : memref<2560x4xf32, #tpu.memory_space<vmem>>, vector<2560x4xf32>
    tpu.vector_store %arg7[%swap3A, %swap3A_9], %add3A_8 {strides = array<i32>} : memref<2560x4xf32, #tpu.memory_space<vmem>>, vector<2560x4xf32>,
    %get3A_11 = arith.constant 0 : index
    %get3A_12 = arith.constant 0 : index
    %get3A_13 = vector.load %arg4[%get3A_11, %get3A_12] : memref<256x64xf32, #tpu.memory_space<vmem>>, vector<256x64xf32>
    %dot_general3A_14 = arith.constant dense<0.000000e+00> : vector<2560x64xf32>
    %dot_general3A_15 = tpu.matmul %get3A_1, %get3A_13, %dot_general3A_14 {dimension_numbers = #tpu.dot_dimension_numbers<[1], [0], [0], [1], [0, 0, 1, 1], [], []>, transpose_lhs_hint = false} : vector<2560x256xf32>, vector<256x64xf32>, vector<2560x64xf32> -> vector<2560x64xf32>
    %get3A_16 = arith.constant 0 : index
    %get3A_17 = vector.load %arg5[%get3A_16] : memref<64xf32, #tpu.memory_space<vmem>>, vector<64xf32>
    %broadcast_in_dim3A_18 = vector.shape_cast %get3A_17 : vector<64xf32> to vector<1x64xf32>
    %add3A_19 = vector.broadcast %broadcast_in_dim3A_18 : vector<1x64xf32> to vector<2560x64xf32>
    %add3A_20 = arith.addf %dot_general3A_15, %add3A_19 : vector<2560x64xf32>
    %swap3A_21 = arith.constant 0 : index
    %swap3A_22 = arith.constant 0 : index
    %swap3A_23 = vector.load %arg8[%swap3A_21, %swap3A_22] : memref<2560x64xf32, #tpu.memory_space<vmem>>, vector<2560x64xf32>
    tpu.vector_store %arg8[%swap3A_21, %swap3A_22], %add3A_20 {strides = array<i32>} : memref<2560x64xf32, #tpu.memory_space<vmem>>, vector<2560x64xf32>,
    %get3A_24 = arith.constant 0 : index
    %get3A_25 = arith.constant 0 : index
    %get3A_26 = vector.load %arg6[%get3A_24, %get3A_25] : memref<4x256xf32, #tpu.memory_space<vmem>>, vector<4x256xf32>
    %dot_general3A_27 = arith.constant dense<0.000000e+00> : vector<4x2560xf32>
    %dot_general3A_28 = tpu.matmul %get3A_26, %get3A_1, %dot_general3A_27 {dimension_numbers = #tpu.dot_dimension_numbers<[1], [1], [0], [0], [0, 0, 1, 0], [], []>, transpose_lhs_hint = false} : vector<4x256xf32>, vector<2560x256xf32>, vector<4x2560xf32> -> vector<4x2560xf32>
    %mul3A = arith.mulf %dot_general3A_28, %dot_general3A_28 : vector<4x2560xf32>
    %reduce_sum3A = arith.constant dense<0.000000e+00> : vector<2560xf32>
    %reduce_sum3A_29 = vector.multi_reduction <add>, %mul3A, %reduce_sum3A [0] : vector<4x2560xf32> to vector<2560xf32>
    %broadcast_in_dim3A_30 = vector.shape_cast %reduce_sum3A_29 : vector<2560xf32> to vector<1x2560xf32>
    %iota3A = tpu.iota {dimensions = array<i32: 1>} : vector<1x2560xi32>
    %lt3A = arith.constant 2500 : i32
    %lt3A_31 = vector.broadcast %lt3A : i32 to vector<1x2560xi32>
    %lt3A_32 = arith.cmpi slt, %iota3A, %lt3A_31 : vector<1x2560xi32>
    %jit3A = arith.constant 0x7F800000 : f32
    %broadcast_in_dim3A_33 = vector.broadcast %jit3A : f32 to vector<1x2560xf32>
    %select_n3A = arith.select %lt3A_32, %broadcast_in_dim3A_30, %broadcast_in_dim3A_33 : vector<1x2560xi1>, vector<1x2560xf32>
    %convert_element_type3A = arith.truncf %dot_general3A_28 : vector<4x2560xf32> to vector<4x2560xbf16>
    %convert_element_type3A_34 = arith.extf %convert_element_type3A : vector<4x2560xbf16> to vector<4x2560xf32>
    %concatenate3A = tpu.concatenate %convert_element_type3A_34, %select_n3A in 0 : vector<4x2560xf32>, vector<1x2560xf32> -> vector<5x2560xf32>
    %swap3A_35 = arith.constant 0 : index
    %swap3A_36 = arith.constant 0 : index
    %swap3A_37 = vector.load %arg9[%swap3A_35, %swap3A_36] : memref<5x2560xf32, #tpu.memory_space<vmem>>, vector<5x2560xf32>
    tpu.vector_store %arg9[%swap3A_35, %swap3A_36], %concatenate3A {strides = array<i32>} : memref<5x2560xf32, #tpu.memory_space<vmem>>, vector<5x2560xf32>,
    return
  }
  func.func @transform_0(%arg0: i32) -> (i32, i32) {
    %c0_i32 = arith.constant 0 : i32
    %c0_i32_0 = arith.constant 0 : i32
    return %arg0, %c0_i32 : i32, i32
  }
  func.func @transform_1(%arg0: i32) -> (i32, i32) {
    %c0_i32 = arith.constant 0 : i32
    %c0_i32_0 = arith.constant 0 : i32
    %c0_i32_1 = arith.constant 0 : i32
    return %c0_i32, %c0_i32_0 : i32, i32
  }
  func.func @transform_2(%arg0: i32) -> i32 {
    %c0_i32 = arith.constant 0 : i32
    %c0_i32_0 = arith.constant 0 : i32
    return %c0_i32 : i32
  }
  func.func @transform_3(%arg0: i32) -> (i32, i32) {
    %c0_i32 = arith.constant 0 : i32
    %c0_i32_0 = arith.constant 0 : i32
    %c0_i32_1 = arith.constant 0 : i32
    return %c0_i32, %c0_i32_0 : i32, i32
  }
  func.func @transform_4(%arg0: i32) -> i32 {
    %c0_i32 = arith.constant 0 : i32
    %c0_i32_0 = arith.constant 0 : i32
    return %c0_i32 : i32
  }
  func.func @transform_5(%arg0: i32) -> (i32, i32) {
    %c0_i32 = arith.constant 0 : i32
    %c0_i32_0 = arith.constant 0 : i32
    %c0_i32_1 = arith.constant 0 : i32
    return %c0_i32, %c0_i32_0 : i32, i32
  }
  func.func @transform_6(%arg0: i32) -> (i32, i32) {
    %c0_i32 = arith.constant 0 : i32
    %c0_i32_0 = arith.constant 0 : i32
    return %arg0, %c0_i32 : i32, i32
  }
  func.func @transform_7(%arg0: i32) -> (i32, i32) {
    %c0_i32 = arith.constant 0 : i32
    %c0_i32_0 = arith.constant 0 : i32
    return %arg0, %c0_i32 : i32, i32
  }
  func.func @transform_8(%arg0: i32) -> (i32, i32) {
    %c0_i32 = arith.constant 0 : i32
    %c0_i32_0 = arith.constant 0 : i32
    return %c0_i32, %arg0 : i32, i32
  }
}

module attributes {stable_mosaic.version = 14 : i64} {
  func.func @_out_body(%arg0: i32, %arg1: memref<1000x256xf32, #tpu.memory_space<vmem>>, %arg2: memref<1000x64xf32, #tpu.memory_space<vmem>>, %arg3: memref<1000x64xf32, #tpu.memory_space<vmem>>, %arg4: memref<384x256xf32, #tpu.memory_space<vmem>>, %arg5: memref<256xf32, #tpu.memory_space<vmem>>, %arg6: memref<1000x256xf32, #tpu.memory_space<vmem>>) attributes {dimension_semantics = [#tpu.dimension_semantics<arbitrary>], iteration_bounds = array<i64: 10>, scalar_prefetch = 0 : i64, scratch_operands = 0 : i64, tpu.core_type = #tpu.core_type<tc>, window_params = [{transform_indices = @transform_0, window_bounds = array<i64: 1000, 256>}, {transform_indices = @transform_1, window_bounds = array<i64: 1000, 64>}, {transform_indices = @transform_2, window_bounds = array<i64: 1000, 64>}, {pipeline_mode = #tpu.pipeline_mode<synchronous>, transform_indices = @transform_3, window_bounds = array<i64: 384, 256>}, {pipeline_mode = #tpu.pipeline_mode<synchronous>, transform_indices = @transform_4, window_bounds = array<i64: 256>}, {transform_indices = @transform_5, window_bounds = array<i64: 1000, 256>}]} {
    %get3A = arith.constant 0 : index
    %get3A_0 = arith.constant 0 : index
    %get3A_1 = vector.load %arg4[%get3A, %get3A_0] : memref<384x256xf32, #tpu.memory_space<vmem>>, vector<384x256xf32>
    %get3A_2 = arith.constant 0 : index
    %get3A_3 = arith.constant 0 : index
    %get3A_4 = vector.load %arg1[%get3A_2, %get3A_3] : memref<1000x256xf32, #tpu.memory_space<vmem>>, vector<1000x256xf32>
    %slice3A = vector.extract_strided_slice %get3A_1 {offsets = [0, 0], sizes = [256, 256], strides = [1, 1]} : vector<384x256xf32> to vector<256x256xf32>
    %dot_general3A = arith.constant dense<0.000000e+00> : vector<1000x256xf32>
    %dot_general3A_5 = tpu.matmul %get3A_4, %slice3A, %dot_general3A {dimension_numbers = #tpu.dot_dimension_numbers<[1], [0], [0], [1], [0, 0, 1, 1], [], []>, transpose_lhs_hint = false} : vector<1000x256xf32>, vector<256x256xf32>, vector<1000x256xf32> -> vector<1000x256xf32>
    %get3A_6 = arith.constant 0 : index
    %get3A_7 = arith.constant 0 : index
    %get3A_8 = vector.load %arg2[%get3A_6, %get3A_7] : memref<1000x64xf32, #tpu.memory_space<vmem>>, vector<1000x64xf32>
    %slice3A_9 = vector.extract_strided_slice %get3A_1 {offsets = [256, 0], sizes = [64, 256], strides = [1, 1]} : vector<384x256xf32> to vector<64x256xf32>
    %dot_general3A_10 = arith.constant dense<0.000000e+00> : vector<1000x256xf32>
    %dot_general3A_11 = tpu.matmul %get3A_8, %slice3A_9, %dot_general3A_10 {dimension_numbers = #tpu.dot_dimension_numbers<[1], [0], [0], [1], [0, 0, 1, 1], [], []>, transpose_lhs_hint = false} : vector<1000x64xf32>, vector<64x256xf32>, vector<1000x256xf32> -> vector<1000x256xf32>
    %add3A = arith.addf %dot_general3A_5, %dot_general3A_11 : vector<1000x256xf32>
    %get3A_12 = arith.constant 0 : index
    %get3A_13 = arith.constant 0 : index
    %get3A_14 = vector.load %arg3[%get3A_12, %get3A_13] : memref<1000x64xf32, #tpu.memory_space<vmem>>, vector<1000x64xf32>
    %slice3A_15 = vector.extract_strided_slice %get3A_1 {offsets = [320, 0], sizes = [64, 256], strides = [1, 1]} : vector<384x256xf32> to vector<64x256xf32>
    %dot_general3A_16 = arith.constant dense<0.000000e+00> : vector<1000x256xf32>
    %dot_general3A_17 = tpu.matmul %get3A_14, %slice3A_15, %dot_general3A_16 {dimension_numbers = #tpu.dot_dimension_numbers<[1], [0], [0], [1], [0, 0, 1, 1], [], []>, transpose_lhs_hint = false} : vector<1000x64xf32>, vector<64x256xf32>, vector<1000x256xf32> -> vector<1000x256xf32>
    %add3A_18 = arith.addf %add3A, %dot_general3A_17 : vector<1000x256xf32>
    %get3A_19 = arith.constant 0 : index
    %get3A_20 = vector.load %arg5[%get3A_19] : memref<256xf32, #tpu.memory_space<vmem>>, vector<256xf32>
    %broadcast_in_dim3A = vector.shape_cast %get3A_20 : vector<256xf32> to vector<1x256xf32>
    %add3A_21 = vector.broadcast %broadcast_in_dim3A : vector<1x256xf32> to vector<1000x256xf32>
    %add3A_22 = arith.addf %add3A_18, %add3A_21 : vector<1000x256xf32>
    %max3A = arith.constant 0.000000e+00 : f32
    %max3A_23 = vector.broadcast %max3A : f32 to vector<1000x256xf32>
    %max3A_24 = arith.maximumf %add3A_22, %max3A_23 : vector<1000x256xf32>
    %swap3A = arith.constant 0 : index
    %swap3A_25 = arith.constant 0 : index
    %swap3A_26 = vector.load %arg6[%swap3A, %swap3A_25] : memref<1000x256xf32, #tpu.memory_space<vmem>>, vector<1000x256xf32>
    tpu.vector_store %arg6[%swap3A, %swap3A_25], %max3A_24 {strides = array<i32>} : memref<1000x256xf32, #tpu.memory_space<vmem>>, vector<1000x256xf32>,
    return
  }
  func.func @transform_0(%arg0: i32) -> (i32, i32) {
    %c0_i32 = arith.constant 0 : i32
    %c0_i32_0 = arith.constant 0 : i32
    return %arg0, %c0_i32 : i32, i32
  }
  func.func @transform_1(%arg0: i32) -> (i32, i32) {
    %c0_i32 = arith.constant 0 : i32
    %c0_i32_0 = arith.constant 0 : i32
    return %arg0, %c0_i32 : i32, i32
  }
  func.func @transform_2(%arg0: i32) -> (i32, i32) {
    %c0_i32 = arith.constant 0 : i32
    %c0_i32_0 = arith.constant 0 : i32
    return %arg0, %c0_i32 : i32, i32
  }
  func.func @transform_3(%arg0: i32) -> (i32, i32) {
    %c0_i32 = arith.constant 0 : i32
    %c0_i32_0 = arith.constant 0 : i32
    %c0_i32_1 = arith.constant 0 : i32
    return %c0_i32, %c0_i32_0 : i32, i32
  }
  func.func @transform_4(%arg0: i32) -> i32 {
    %c0_i32 = arith.constant 0 : i32
    %c0_i32_0 = arith.constant 0 : i32
    return %c0_i32 : i32
  }
  func.func @transform_5(%arg0: i32) -> (i32, i32) {
    %c0_i32 = arith.constant 0 : i32
    %c0_i32_0 = arith.constant 0 : i32
    return %arg0, %c0_i32 : i32, i32
  }
}

</mosaic_0001>

<sc_bundles>
// kernel: kernel.5.cloned.1.call-start
scs
__scs_entry_jumppad:
0x0: {  	(pc) =	sbr.rel $0x88, $3  }
0x1: {  	(tag) =	ssettag $0x0;
	lr =	simm.s32 $0x1  }
0x2: {  	[smem:$0x3F9A] =	sst lr;
	_ =	strace $0xD0000000  }
0x3: {  	_ = 	snop  }
0x4: {  	_ = 	snop  }
0x5: {  	_ = 	snop  }
0x6: {  	_ = 	snop  }
0x7: {  	_ = 	snop  }
__scs_overlays_trampoline_lowered:
0x8: {  	[smem:$0x3FA9] =	sst s0  }
0x9: {  	[smem:$0x3FAA] =	sst s1  }
0xa: {  	[smem:$0x3FAB] =	sst s2  }
0xb: {  	[smem:$0x3FAC] =	sst s3  }
0xc: {  	[smem:$0x3FAD] =	sst s4  }
0xd: {  	[smem:$0x3FAE] =	sst s5  }
0xe: {  	[smem:$0x3FAF] =	sst s6  }
0xf: {  	[smem:$0x3FB0] =	sst s7  }
0x10: {  	[smem:$0x3FB1] =	sst s8  }
0x11: {  	[smem:$0x3FB2] =	sst s9;
	s0 =	simm.s32 @!p0 $0x0  }
0x12: {  	s1 =	sld [smem:$0x3F98];
	s0 =	simm.s32 @p0 $0x1  }
0x13: {  	[smem:$0x3FB3] =	sst s0;
	s0 =	simm.s32 @!p1 $0x0  }
0x14: {  	s2 =	sld [smem:$0x3F97];
	s0 =	simm.s32 @p1 $0x1  }
0x15: {  	[smem:$0x3FB4] =	sst s0;
	s0 =	simm.s32 @!p2 $0x0  }
0x16: {  	s3 =	sld [smem:$0x3FDB];
	s0 =	simm.s32 @p2 $0x1  }
0x17: {  	s4 =	simm.s32 $0x1BF5;
	[smem:$0x3FB6] =	sst s0  }
0x18: {  	s0 =	sld [smem:$0x3F99];
	_ =	swait.ge [sflag:s4], $0x0  }
0x19: {  	s7 =	sld [smem:$0x3F9A]  }
0x1a: {  	s8 =	sadd.s32 $0xFFFFE003, lr  }
0x1b: {  	s9 =	sadd.s32 $0xFFFFFEF7, lr;
	s5 =	simm.s32 $0xFFFFFFFF;
	p2 =	slt.u32 s8, $0xFFFFF086  }
0x1c: {  	p1 =	slt.u32 s9, $0xF7A;
	s5 =	simm.s32 @!p2 $0x0  }
0x1d: {  	s5 =	simm.s32 @p1 $0x1;
	p0 =	seq.s32 s7, s2  }
0x1e: {  	s7 =	smul.u32 @!p0 $0xF7A, s2;
	p2 =	seq.s32 @!p0 s5, $0x0  }
0x1f: {  	s9 =	smul.u32 $0xF7A, s1;
	s8 =	simm.s32 @!p0 $0x1BF5;
	p2 =	por !p2, p0  }
0x20: {  	[sflag:s8] =	ssyncset.s32 @!p0 $0xFFFFF086;
	s6 =	sadd.s32 @!p0 s3, s7;
	s7 =	simm.s32 @!p0 $0x108  }
0x21: {  	s3 =	sadd.s32 s3, s9;
	s6 =	sadd.s32 @!p0 $0x88, s6;
	s7 =	simm.s32 @p2 $0x1082  }
0x22: {  	[simem:s7], [sflag:s8] =	dma.local @!p0 [hbm:s6], $0xF7A  }
0x23: {  	s9 =	sor.u32 $0xD0000000, s2;
	s6 =	simm.s32 $0x108;
	_ =	swait.ge @!p0 [sflag:s8], $0x0  }
0x24: {  	s3 =	sadd.s32 $0x88, s3;
	s6 =	simm.s32 @!p1 $0x1082;
	[sflag:s4] =	ssyncset.s32 $0xFFFFF086  }
0x25: {  	[simem:s6], [sflag:s4] =	dma.local [hbm:s3], $0xF7A  }
0x26: {  	[smem:$0x3F9A] =	sst s1;
	(tag) =	ssettag s2;
	_ =	strace s9  }
0x27: {  	s1 =	sld [smem:$0x3FAA]  }
0x28: {  	s2 =	sld [smem:$0x3FAB]  }
0x29: {  	s4 =	sld [smem:$0x3FAD]  }
0x2a: {  	p0 =	seq.s32 s5, $0x0;
	s5 =	sld [smem:$0x3FAE]  }
0x2b: {  	s6 =	sld [smem:$0x3FAF]  }
0x2c: {  	s7 =	sld [smem:$0x3FB0]  }
0x2d: {  	s3 =	simm.s32 $0x108;
	s8 =	sld [smem:$0x3FB1]  }
0x2e: {  	s3 =	simm.s32 @!p0 $0x1082;
	s9 =	sld [smem:$0x3FB2]  }
0x2f: {  	lr =	sadd.s32 s0, s3;
	s0 =	sld [smem:$0x3FA9]  }
0x30: {  	s3 =	sld [smem:$0x3FAC]  }
0x31: {  	[smem:$0x3FB5] =	sst s10  }
0x32: {  	s10 =	sld [smem:$0x3FB3];
	_ =	sdelay $0x3  }
0x33: {  	p0 =	seq.s32 s10, $0x1;
	s10 =	sld [smem:$0x3FB5];
	_ =	sdelay $0x3  }
0x34: {  	[smem:$0x3FB5] =	sst s10  }
0x35: {  	s10 =	sld [smem:$0x3FB4];
	_ =	sdelay $0x3  }
0x36: {  	p1 =	seq.s32 s10, $0x1;
	s10 =	sld [smem:$0x3FB5];
	_ =	sdelay $0x3  }
0x37: {  	[smem:$0x3FB5] =	sst s10  }
0x38: {  	s10 =	sld [smem:$0x3FB6]  }
0x39: {  	_ = 	snop;
	(pc) =	sbr.ind lr, $3  }
0x3a: {  	_ = 	snop  }
0x3b: {  	_ = 	snop  }
0x3c: {  	p2 =	seq.s32 s10, $0x1;
	s10 =	sld [smem:$0x3FB5]  }
0x3d: {  	_ =	shalt  }
0x3e: {  	_ =	shalt  }
0x3f: {  	_ =	shalt  }
0x40: {  	_ =	shalt  }
0x41: {  	_ =	shalt  }
0x42: {  	_ =	shalt  }
0x43: {  	_ =	shalt  }
0x44: {  	_ =	shalt  }
0x45: {  	_ =	shalt  }
0x46: {  	_ =	shalt  }
0x47: {  	_ =	shalt  }
0x48: {  	_ =	shalt  }
0x49: {  	_ =	shalt  }
0x4a: {  	_ =	shalt  }
0x4b: {  	_ =	shalt  }
0x4c: {  	_ =	shalt  }
0x4d: {  	_ =	shalt  }
0x4e: {  	_ =	shalt  }
0x4f: {  	_ =	shalt  }
0x50: {  	_ =	shalt  }
0x51: {  	_ =	shalt  }
0x52: {  	_ =	shalt  }
0x53: {  	_ =	shalt  }
0x54: {  	_ =	shalt  }
0x55: {  	_ =	shalt  }
0x56: {  	_ =	shalt  }
0x57: {  	_ =	shalt  }
0x58: {  	_ =	shalt  }
0x59: {  	_ =	shalt  }
0x5a: {  	_ =	shalt  }
0x5b: {  	_ =	shalt  }
0x5c: {  	_ =	shalt  }
0x5d: {  	_ =	shalt  }
0x5e: {  	_ =	shalt  }
0x5f: {  	_ =	shalt  }
0x60: {  	_ =	shalt  }
0x61: {  	_ =	shalt  }
0x62: {  	_ =	shalt  }
0x63: {  	_ =	shalt  }
0x64: {  	_ =	shalt  }
0x65: {  	_ =	shalt  }
0x66: {  	_ =	shalt  }
0x67: {  	_ =	shalt  }
0x68: {  	_ =	shalt  }
0x69: {  	_ =	shalt  }
0x6a: {  	_ =	shalt  }
0x6b: {  	_ =	shalt  }
0x6c: {  	_ =	shalt  }
0x6d: {  	_ =	shalt  }
0x6e: {  	_ =	shalt  }
0x6f: {  	_ =	shalt  }
0x70: {  	_ =	shalt  }
0x71: {  	_ =	shalt  }
0x72: {  	_ =	shalt  }
0x73: {  	_ =	shalt  }
0x74: {  	_ =	shalt  }
0x75: {  	_ =	shalt  }
0x76: {  	_ =	shalt  }
0x77: {  	_ =	shalt  }
0x78: {  	_ =	shalt  }
0x79: {  	_ =	shalt  }
0x7a: {  	_ =	shalt  }
0x7b: {  	_ =	shalt  }
0x7c: {  	_ =	shalt  }
0x7d: {  	_ =	shalt  }
0x7e: {  	_ =	shalt  }
0x7f: {  	_ =	shalt  }
0x80: {  	_ =	shalt  }
0x81: {  	_ =	shalt  }
0x82: {  	_ =	shalt  }
0x83: {  	_ =	shalt  }
0x84: {  	_ =	shalt  }
0x85: {  	_ =	shalt  }
0x86: {  	_ =	shalt  }
0x87: {  	_ =	shalt  }
.Lfunc_end0:
.L_simem_size_0:
called_computation_lowered:
.L_overlay_start_0:
0x88: {  	s2 =	sld [smem:$0x3FD9]  }
0x89: {  	s3 =	sld [smem:$0x3FFE];
	_ =	sdelay $0x1  }
0x8a: {  	s1 =	srdreg.scid  }
0x8b: {  	s0 =	sand.u32 $0x1, s1  }
0x8c: {  	s14 =	sshll.u32 s0, $0xA;
	s2 =	sadd.s32 s3, s2  }
0x8d: {  	s2 =	sadd.s32 s2, s14  }
0x8e: {  	[smem:$0x3FC1] =	sst s2  }
0x8f: {  	_ = 	snop  }
0x90: {  	s2 =	sld [smem:$0x3FD0];
	_ =	sdelay $0x2  }
0x91: {  	s15 =	simm.s32 $0xA;
	s4 =	simm.s32 $0x10  }
0x92: {  	[smem:s4], [sflag:s15] =	dma.local [hbm:s2], $0x1  }
0x93: {  	_ =	swait.eq [sflag:s15], $0x1  }
0x94: {  	s16 =	sld [smem:$0x10];
	[sflag:s15] =	ssyncset.done $0x0  }
0x95: {  	s17 =	sld [smem:$0x11];
	[sflag:s15] =	ssyncadd.s32 $0xFFFFFFFF  }
0x96: {  	s18 =	sld [smem:$0x12];
	(tm) =	ssettm $0x1  }
0x97: {  	s5 =	sld [smem:$0x3FFB];
	_ =	sdelay $0x3  }
0x98: {  	_ =	strace s5  }
0x99: {  	s5 =	sld [smem:$0x3FFC];
	_ =	sdelay $0x3  }
0x9a: {  	_ =	strace s5  }
0x9b: {  	s5 =	sld [smem:$0x3FFD];
	_ =	sdelay $0x3  }
0x9c: {  	_ =	strace s5  }
0x9d: {  	_ =	strace $0x8FFFFFFF  }
0x9e: {  	s19 =	sld [smem:$0x3FDB];
	_ =	sdelay $0x1  }
0x9f: {  	s6 =	simm.s32 $_scs_section_size  }
0xa0: {  	s7 =	simm.s32 $_size__tile_overlayer_lowered;
	s8 =	simm.s32 $_tile_overlayer_lowered  }
0xa1: {  	s22 =	simm.s32 $0x1BFF;
	s21 =	sshll.u32 s8, $0x1;
	s5 =	sadd.s32 s6, s19  }
0xa2: {  	s9 =	simm.s32 $0x0;
	s20 =	sshll.u32 s7, $0x1;
	s7 =	sadd.s32 s21, s5  }
0xa3: {  	[timem:s9], [sflag:s22] =	dma.local [hbm:s7], s20  }
0xa4: {  	_ =	swait.ge [sflag:s22], s20  }
0xa5: {  	s6 =	ssub.s32 $0x0, s20;
	[sflag:s22] =	ssyncset.done $0x0  }
0xa6: {  	[sflag:s22] =	ssyncadd.s32 s6;
	_ =	sdelay $0x1  }
0xa7: {  	s23 =	simm.s32 $0x1B8B  }
0xa8: {  	_ =	swait.ge [sflag:s23], $0x1  }
0xa9: {  	[sflag:s23] =	ssyncset.done $0x0  }
0xaa: {  	s25 =	simm.s32 $0x1B8E;
	s24 =	sld [smem:$0x3FFE];
	[sflag:s23] =	ssyncadd.s32 $0xFFFFFFFF  }
0xab: {  	s26 =	simm.s32 $execute0_lowered;
	[smem:$0x3FD2] =	sst s25  }
0xac: {  	s7 =	sshll.u32 s26, $0x1;
	_ =	strace $0x80000046;
	[dreg:$0x1] =	wrdreg $0xFFFFFFFF  }
0xad: {  	s28 =	simm.s32 $_size_execute0_lowered;
	s5 =	sadd.s32 s5, s7;
	[dreg:$0x0] =	wrdreg $0x0  }
0xae: {  	s7 =	sshll.u32 s28, $0x1;
	[dreg:$0x2] =	wrdreg s5  }
0xaf: {  	[dreg:$0x3] =	wrdreg s7  }
0xb0: {  	[dreg:$0x4] =	wrdreg $0xC0  }
0xb1: {  	_ =	task [dreg:s9], $0x5FFFF  }
0xb2: {  	[dreg:$0x1] =	wrdreg $0xFFFFFFFF  }
0xb3: {  	[dreg:$0x0] =	wrdreg $0x60  }
0xb4: {  	[dreg:$0x2] =	wrdreg s17  }
0xb5: {  	[dreg:$0x3] =	wrdreg s16  }
0xb6: {  	[dreg:$0x4] =	wrdreg s18  }
0xb7: {  	[dreg:$0x5] =	wrdreg s24  }
0xb8: {  	[dreg:$0x6] =	wrdreg $0x9  }
0xb9: {  	_ =	task.clear_ibuf [dreg:s9], $0x7FFFF;
	_ =	strace $0x90000046  }
0xba: {  	s29 =	simm.s32 $0x9;
	_ =	strace $0x80000048  }
0xbb: {  	_ =	swait.ge [sflag:s29], $0x1  }
0xbc: {  	[sflag:s29] =	ssyncadd.s32 $0xFFFFFFFF  }
0xbd: {  	_ =	strace $0x90000048  }
0xbe: {  	_ =	sfence  }
0xbf: {  	s30 =	sld [smem:$0x0];
	_ =	sdelay $0x2  }
0xc0: {  	s31 =	sshll.u32 s1, $0xD;
	s1 =	sshrl.u32 s1, $0x2  }
0xc1: {  	s3 =	sand.u32 $0x4000, s31;
	s1 =	sadd.s32 s1, s30  }
0xc2: {  	s0 =	sor.u32 s3, s0;
	s1 =	sshll.u32 s1, $0x11  }
0xc3: {  	s0 =	sor.u32 s1, s0  }
0xc4: {  	s0 =	sadd.s32 $0x8F2B, s0  }
0xc5: {  	[sflag:s0] =	ssyncadd.remote.s32 $0x1  }
0xc6: {  	_ =	sfence.sel $0xFFFF  }
0xc7: {  	[dreg:$0x0] =	wrdreg $0xFFFFFFFF;
	(pc) =	sbr.abs _section_cstart, $3  }
0xc8: {  	[dreg:$0x1] =	wrdreg $0xFFFFFFFF  }
0xc9: {  	_ =	task.clear_ibuf [dreg:s9], $0x2FFFF;
	_ =	strace $0x9FFFFFFF  }
0xca: {  	(tm) =	ssettm $0x7FFFFFFF  }
0xcb: {  	_ =	shalt  }
tec
execute0_lowered:
.L_overlay_start_1:
0x0: {  	(tag) =	ssettag $0x1  }
0x1: {  	s10 =	rddreg [dreg:$0x0]  }
0x2: {  	s2 =	rddreg [dreg:$0x1]  }
0x3: {  	s3 =	rddreg [dreg:$0x2]  }
0x4: {  	s0 =	rddreg [dreg:$0x3]  }
0x5: {  	s4 =	simm.s32 $0x0;
	s1 =	srdreg.scid;
	s11 =	stileid.u32  }
0x6: {  	s16 =	simm.s32 $0x3;
	s17 =	simm.s32 $0x2800;
	s18 =	simm.s32 $0x5000  }
0x7: {  	s19 =	simm.s32 $0x7800;
	s20 =	simm.s32 $0xA000;
	s28 =	simm.s32 $0xC880  }
0x8: {  	s29 =	simm.s32 $0xD900;
	s30 =	simm.s32 $0xD940;
	[smem:$0x7FF] =	sst s4  }
0x9: {  	s6 =	sadd.s32 $0x29A00, s0;
	s1 =	sand.u32 $0x1, s1;
	s7 =	sadd.s32 $0x16000, s0  }
0xa: {  	s8 =	sadd.s32 $0x2600, s0;
	s9 =	sshll.u32 s11, $0x1;
	s24 =	sadd.s32 $0x500, s10  }
0xb: {  	s25 =	sadd.s32 $0xA00, s10;
	_ =	strace $0x80000047;
	[dreg:$0x5] =	wrdreg s24  }
0xc: {  	s23 =	smul.u32 $0x272, s11;
	s26 =	sadd.s32 $0xF00, s10;
	[dreg:$0x6] =	wrdreg s25  }
0xd: {  	s10 =	sadd.s32 $0x1400, s10;
	s5 =	ssub.s32 $0x2, s1;
	[dreg:$0x7] =	wrdreg s26  }
0xe: {  	s22 =	sor.u32 s1, s9;
	s1 =	smul.u32 $0x139, s1;
	[dreg:$0x8] =	wrdreg s10  }
.Ltmp0:
0xf: {  	s24 =	simm.s32 $0x1;
	s25 =	simm.s32 $0xC8C0;
	(pc) =	sbr.rel .LBB2_1-.Ltmp0, $4  }
0x10: {  	s26 =	simm.s32 $0xC800;
	s21 =	sshrl.u32 s5, $0x1;
	s13 =	smul.u32 $0x139, s22  }
0x11: {  	s22 =	simm.s32 $0xC840;
	s0 =	ssub.s32 s5, s21;
	s31 =	sadd.s32 s1, s23  }
0x12: {  	v0 =	vlaneseq.u32;
	s21 =	simm.s32 $0x40;
	s0 =	smax.u32 s0, $0x1;
	[dreg:$0xa] =	wrdreg s31  }
0x13: {  	v1 =	vor.u32 $0x10, v0;
	s23 =	simm.s32 $0xC900;
	[dreg:$0x9] =	wrdreg s0;
	s0 =	simm.s32 $0x0  }
.LBB2_9:
0x14: {  	s5 =	simm.s32 $0x2  }
0x15: {  	_ =	swait.ge [sflag:s5], $0x38  }
0x16: {  	[sflag:s5] =	ssyncset.done $0x0  }
0x17: {  	[sflag:s5] =	ssyncadd.s32 $0xFFFFFFC8  }
0x18: {  	_ =	swait.ge [sflag:s5], $0x38  }
0x19: {  	[sflag:s5] =	ssyncset.done $0x0  }
0x1a: {  	[sflag:s5] =	ssyncadd.s32 $0xFFFFFFC8  }
0x1b: {  	_ =	swait.ge [sflag:s5], $0x40  }
0x1c: {  	[sflag:s5] =	ssyncset.done $0x0  }
0x1d: {  	[sflag:s5] =	ssyncadd.s32 $0xFFFFFFC0  }
0x1e: {  	_ =	swait.ge [sflag:s5], $0x40  }
0x1f: {  	s0 =	sadd.s32 $0x1, s0;
	s1 =	rddreg [dreg:$0x9]  }
0x20: {  	p0 =	sne.s32 s0, s1  }
.Ltmp1:
0x21: {  	_ = 	snop;
	(pc) =	sbr.rel @!p0 .LBB2_10-.Ltmp1, $3  }
0x22: {  	_ =	sdelay $0x1  }
0x23: {  	[sflag:s5] =	ssyncset.done $0x0  }
0x24: {  	[sflag:s5] =	ssyncadd.s32 $0xFFFFFFC0  }
.LBB2_1:
0x25: {  	s1 =	rddreg [dreg:$0x0]  }
0x26: {  	[tilespmem:s4], [sflag:$0x3] =	stream.linear.gather [hbm4b:s1+s4], $0x2800, $0x38;
	[tilespmem:$0xD980] =	vst v63  }
0x27: {  	_ =	swait.ge [sflag:s16], $0x2800  }
0x28: {  	[sflag:s16] =	ssyncset.done $0x0  }
0x29: {  	s12 =	rddreg [dreg:$0x5];
	[sflag:s16] =	ssyncadd.s32 $0xFFFFD800  }
0x2a: {  	[tilespmem:s17], [sflag:$0x3] =	stream.linear.gather [hbm4b:s12+s4], $0x2800, $0x38;
	[tilespmem:$0xD980] =	vst v63  }
0x2b: {  	_ =	swait.ge [sflag:s16], $0x2800  }
0x2c: {  	[sflag:s16] =	ssyncset.done $0x0  }
0x2d: {  	s14 =	rddreg [dreg:$0x6];
	[sflag:s16] =	ssyncadd.s32 $0xFFFFD800  }
0x2e: {  	[tilespmem:s18], [sflag:$0x3] =	stream.linear.gather [hbm4b:s14+s4], $0x2800, $0x38;
	[tilespmem:$0xD980] =	vst v63  }
0x2f: {  	_ =	swait.ge [sflag:s16], $0x2800  }
0x30: {  	[sflag:s16] =	ssyncset.done $0x0  }
0x31: {  	s15 =	rddreg [dreg:$0x7];
	[sflag:s16] =	ssyncadd.s32 $0xFFFFD800  }
0x32: {  	[tilespmem:s19], [sflag:$0x3] =	stream.linear.gather [hbm4b:s15+s4], $0x2800, $0x38;
	[tilespmem:$0xD980] =	vst v63  }
0x33: {  	_ =	swait.ge [sflag:s16], $0x2800  }
0x34: {  	[sflag:s16] =	ssyncset.done $0x0  }
.Ltmp2:
0x35: {  	s31 =	rddreg [dreg:$0x8];
	[sflag:s16] =	ssyncadd.s32 $0xFFFFD800;
	(pc) =	sbr.rel .LBB2_2-.Ltmp2, $4  }
0x36: {  	[tilespmem:s20], [sflag:$0x3] =	stream.linear.gather [hbm4b:s31+s4], $0x2800, $0x38;
	[tilespmem:$0xD980] =	vst v63  }
0x37: {  	_ =	swait.ge [sflag:s16], $0x2800  }
0x38: {  	[sflag:s16] =	ssyncset.done $0x0  }
0x39: {  	s1 =	simm.s32 $0x0;
	s15 =	rddreg [dreg:$0xa];
	[sflag:s16] =	ssyncadd.s32 $0xFFFFD800  }
.LBB2_8:
0x3a: {  	s1 =	sadd.s32 $0x1, s1  }
0x3b: {  	p0 =	sne.s32 s1, $0x139  }
.Ltmp3:
0x3c: {  	_ = 	snop;
	(pc) =	sbr.rel @!p0 .LBB2_9-.Ltmp3, $2  }
0x3d: {  	_ =	sdelay $0x2  }
0x3e: {  	s15 =	sadd.s32 $0x1, s15  }
.LBB2_2:
0x3f: {  	s9 =	sadd.s32 s13, s1  }
0x40: {  	p0 =	sgt.u32 s9, $0x270F  }
.Ltmp4:
0x41: {  	_ = 	snop;
	(pc) =	sbr.rel @p0 .LBB2_8-.Ltmp4, $1  }
0x42: {  	_ =	sdelay $0x3  }
0x43: {  	s5 =	sand.u32 $0xFFFC, s9  }
0x44: {  	s5 =	sshrl.u32 s5, $0x2  }
0x45: {  	s5 =	smul.u32 $0x1A37, s5;
	_ =	sdelay $0x1  }
0x46: {  	s5 =	sshrl.u32 s5, $0x16  }
0x47: {  	s10 =	smul.u32 $0x9C4, s5  }
0x48: {  	s11 =	smul.u32 $0xA00, s5  }
0x49: {  	s12 =	smulhi.u32 $0xD1B71759, s15;
	s31 =	ssub.s32 s9, s10  }
0x4a: {  	s5 =	sadd.s32 s11, s31  }
0x4b: {  	s12 =	sshrl.u32 s12, $0xB;
	v2 =	vmov s5  }
0x4c: {  	s12 =	smul.u32 $0x2800, s12;
	_ =	sdelay $0x1  }
0x4d: {  	s5 =	sshra.s32 s12, $0x2  }
0x4e: {  	s31 =	simm.s32 $0x0;
	v8 =	vmov s5  }
0x4f: {  	s12 =	sadd.s32 $0x7810, s5;
	v3 =	vld.idx.msk [tilespmem:v2+s31+$0x0], $0xffff  }
0x50: {  	s14 =	sadd.s32 $0x5010, s5;
	v9 =	vmov s12;
	v6 =	vld.idx.msk [tilespmem:v2+s17+$0x0], $0xffff  }
0x51: {  	v10 =	vmov s14;
	s14 =	sadd.s32 $0x2800, s5;
	v4 =	vld.idx.msk [tilespmem:v2+s18+$0x0], $0xffff  }
0x52: {  	v11 =	vmov s14;
	s14 =	simm.s32 $0x0;
	v5 =	vld.idx.msk [tilespmem:v2+s19+$0x0], $0xffff  }
0x53: {  	v18 =	vld.idx.msk [tilespmem:v8+s14+$0x10 ss:$0x1], $0xffff  }
0x54: {  	v19 =	vld.idx.msk [tilespmem:v8+s14+$0x0 ss:$0x1], $0xffff  }
0x55: {  	v12 =	vld.idx.msk [tilespmem:v9+s14+$0x0 ss:$0x1], $0xffff  }
0x56: {  	v13 =	vld.idx.msk [tilespmem:v10+s14+$0xFFFFFFF0 ss:$0x1], $0xffff  }
0x57: {  	v14 =	vld.idx.msk [tilespmem:v9+s14+$0xFFFFFFF0 ss:$0x1], $0xffff  }
0x58: {  	v17 =	vld.idx.msk [tilespmem:v10+s14+$0x0 ss:$0x1], $0xffff  }
0x59: {  	v15 =	vld.idx.msk [tilespmem:v11+s14+$0x10 ss:$0x1], $0xffff  }
0x5a: {  	v16 =	vld.idx.msk [tilespmem:v11+s14+$0x0 ss:$0x1], $0xffff  }
0x5b: {  	s5 =	sadd.s32 $0xA010, s5  }
0x5c: {  	v7 =	vmov s5;
	v18 =	vmul.f32 v18, v3;
	v19 =	vmul.f32 v19, v3  }
0x5d: {  	v12 =	vmul.f32 v12, v5;
	v13 =	vmul.f32 v13, v4  }
0x5e: {  	v17 =	vmul.f32 v17, v4;
	v15 =	vmul.f32 v15, v6  }
0x5f: {  	v14 =	vmul.f32 v14, v5;
	v16 =	vmul.f32 v16, v6  }
0x60: {  	v12 =	vadd.f32 v12, v17;
	v15 =	vadd.f32 v15, v18  }
0x61: {  	v13 =	vadd.f32 v14, v13;
	v14 =	vld.idx.msk [tilespmem:v7+s14+$0x0 ss:$0x1], $0xffff;
	v16 =	vadd.f32 v16, v19  }
0x62: {  	v17 =	vld.idx.msk [tilespmem:v7+s14+$0xFFFFFFF0 ss:$0x1], $0xffff;
	v12 =	vadd.f32 v12, v15  }
0x63: {  	v13 =	vadd.f32 v13, v16  }
0x64: {  	v12 =	vadd.f32 v12, v12  }
0x65: {  	s12 =	simm.s32 $0x20;
	v13 =	vadd.f32 v13, v13  }
0x66: {  	v18 =	vld.idx.msk [tilespmem:v9+s12+$0xFFFFFFF0 ss:$0x1], $0xffff;
	v12 =	vsub.f32 v14, v12  }
0x67: {  	v19 =	vld.idx.msk [tilespmem:v8+s12+$0x0 ss:$0x1], $0xffff;
	v13 =	vsub.f32 v17, v13;
	v14 =	vor.u32 s31, v1  }
0x68: {  	v15 =	vld.idx.msk [tilespmem:v10+s12+$0xFFFFFFF0 ss:$0x1], $0xffff;
	(xrf1) =	vsort.ascd.msk.f32 $0xffff, v12, v14;
	v14 =	vor.u32 s31, v0  }
0x69: {  	v16 =	vld.idx.msk [tilespmem:v10+s12+$0x0 ss:$0x1], $0xffff;
	(xrf1) =	vsort.dscd.msk.f32 $0xffff, v13, v14  }
0x6a: {  	v17 =	vld.idx.msk [tilespmem:v8+s12+$0x10 ss:$0x1], $0xffff  }
0x6b: {  	v12 =	vld.idx.msk [tilespmem:v9+s12+$0x0 ss:$0x1], $0xffff  }
0x6c: {  	v13 =	vld.idx.msk [tilespmem:v11+s12+$0x10 ss:$0x1], $0xffff  }
0x6d: {  	v14 =	vld.idx.msk [tilespmem:v11+s12+$0x0 ss:$0x1], $0xffff;
	_ =	sdelay $0x1  }
0x6e: {  	v18 =	vmul.f32 v18, v5;
	v16 =	vmul.f32 v16, v4  }
0x6f: {  	v15 =	vmul.f32 v15, v4;
	v12 =	vmul.f32 v12, v5  }
0x70: {  	v17 =	vmul.f32 v17, v3;
	v13 =	vmul.f32 v13, v6  }
0x71: {  	v14 =	vmul.f32 v14, v6;
	v12 =	vadd.f32 v12, v16;
	v16 =	vmul.f32 v19, v3  }
0x72: {  	v13 =	vadd.f32 v13, v17  }
0x73: {  	v15 =	vadd.f32 v18, v15;
	v17 =	vld.idx.msk [tilespmem:v7+s12+$0x0 ss:$0x1], $0xffff;
	v14 =	vadd.f32 v14, v16  }
0x74: {  	v12 =	vadd.f32 v12, v13  }
0x75: {  	v13 =	vld.idx.msk [tilespmem:v7+s12+$0xFFFFFFF0 ss:$0x1], $0xffff;
	v14 =	vadd.f32 v15, v14;
	v18, v19, _ =	vpop (xrf1)  }
0x76: {  	v12 =	vadd.f32 v12, v12;
	v16, v20, _ =	vpop (xrf1)  }
0x77: {  	v14 =	vadd.f32 v14, v14;
	vm0 =	vlt.f32 v18, v16  }
0x78: {  	s14 =	simm.s32 $0x20;
	s31 =	simm.s32 $0x40;
	v12 =	vsub.f32 v17, v12;
	v15 =	vsel vm0, v18, v16;
	v21 =	vsel vm0, v19, v20  }
0x79: {  	v17 =	vor.u32 s14, v1;
	v16 =	vsel vm0, v16, v18;
	v18 =	vld.idx.msk [tilespmem:v9+s31+$0xFFFFFFF0 ss:$0x1], $0xffff;
	(xrf1) =	vsort.dscd.msk.f32 $0xffff, v15, v21  }
0x7a: {  	v13 =	vsub.f32 v13, v14;
	v15 =	vsel vm0, v20, v19;
	v19 =	vld.idx.msk [tilespmem:v8+s31+$0x0 ss:$0x1], $0xffff;
	(xrf1) =	vsort.ascd.msk.f32 $0xffff, v12, v17  }
0x7b: {  	v14 =	vor.u32 s14, v0;
	v12 =	vld.idx.msk [tilespmem:v9+s31+$0x0 ss:$0x1], $0xffff;
	(xrf1) =	vsort.dscd.msk.f32 $0xffff, v16, v15  }
0x7c: {  	v17 =	vld.idx.msk [tilespmem:v8+s31+$0x10 ss:$0x1], $0xffff;
	(xrf1) =	vsort.dscd.msk.f32 $0xffff, v13, v14  }
0x7d: {  	v15 =	vld.idx.msk [tilespmem:v10+s31+$0xFFFFFFF0 ss:$0x1], $0xffff  }
0x7e: {  	v16 =	vld.idx.msk [tilespmem:v10+s31+$0x0 ss:$0x1], $0xffff  }
0x7f: {  	v13 =	vld.idx.msk [tilespmem:v11+s31+$0x10 ss:$0x1], $0xffff  }
0x80: {  	v14 =	vld.idx.msk [tilespmem:v11+s31+$0x0 ss:$0x1], $0xffff;
	_ =	sdelay $0x1  }
0x81: {  	v18 =	vmul.f32 v18, v5;
	v12 =	vmul.f32 v12, v5  }
0x82: {  	v17 =	vmul.f32 v17, v3;
	v16 =	vmul.f32 v16, v4  }
0x83: {  	v15 =	vmul.f32 v15, v4;
	v13 =	vmul.f32 v13, v6  }
0x84: {  	v14 =	vmul.f32 v14, v6;
	v12 =	vadd.f32 v12, v16;
	v16 =	vmul.f32 v19, v3  }
0x85: {  	v13 =	vadd.f32 v13, v17  }
0x86: {  	v15 =	vadd.f32 v18, v15;
	v19 =	vld.idx.msk [tilespmem:v7+s31+$0x0 ss:$0x1], $0xffff;
	v14 =	vadd.f32 v14, v16;
	v20, v21, _ =	vpop (xrf1)  }
0x87: {  	v12 =	vadd.f32 v12, v13;
	v17, v18, _ =	vpop (xrf1)  }
0x88: {  	v13 =	vld.idx.msk [tilespmem:v7+s31+$0xFFFFFFF0 ss:$0x1], $0xffff;
	v14 =	vadd.f32 v15, v14;
	v22, v23, _ =	vpop (xrf1)  }
0x89: {  	v25 =	vimm.f32 $+Inf;
	v15 =	vadd.f32 v12, v12;
	v12 =	vimm.s32 $0x0;
	v16, v24, _ =	vpop (xrf1)  }
0x8a: {  	v14 =	vadd.f32 v14, v14;
	vm1 =	vlt.f32 v20, v25;
	vm0 =	vlt.f32 v17, v16  }
0x8b: {  	v15 =	vsub.f32 v19, v15;
	v26 =	vsel vm0, v17, v16;
	v27 =	vsel vm0, v18, v24  }
0x8c: {  	s12 =	simm.s32 $0x40;
	v17 =	vsel vm0, v16, v17;
	v18 =	vsel vm0, v24, v18;
	vm0 =	vlt.f32 v22, v25  }
0x8d: {  	v24 =	vsub.f32 v13, v14;
	v13 =	vor.u32 s12, v1;
	v14 =	vsel vm1, v21, v12;
	(xrf1) =	vsort.dscd.msk.f32 $0xffff, v26, v27  }
0x8e: {  	v2 =	vld.idx.msk [tilespmem:v2+s20+$0x0], $0xffff;
	s14 =	simm.s32 $0x60;
	v19 =	vsel vm0, v22, v25;
	v22 =	vsel vm1, v20, v25;
	(xrf1) =	vsort.ascd.msk.f32 $0xffff, v15, v13  }
0x8f: {  	v16 =	vld.idx.msk [tilespmem:v9+s14+$0x0 ss:$0x1], $0xffff;
	v20 =	vor.u32 s12, v0;
	vm1 =	vlt.f32 v22, v25;
	(xrf1) =	vsort.dscd.msk.f32 $0xffff, v17, v18  }
0x90: {  	v13 =	vld.idx.msk [tilespmem:v10+s14+$0xFFFFFFF0 ss:$0x1], $0xffff;
	v18 =	vsel vm0, v23, v12;
	vm0 =	vlt.f32 v19, v25;
	v23 =	vsel vm1, v25, v22  }
0x91: {  	v15 =	vld.idx.msk [tilespmem:v9+s14+$0xFFFFFFF0 ss:$0x1], $0xffff;
	v26 =	vsel vm1, v12, v14;
	v17 =	vsel vm0, v19, v25;
	v21 =	vsel vm0, v25, v19  }
0x92: {  	v19 =	vld.idx.msk [tilespmem:v11+s14+$0x10 ss:$0x1], $0xffff;
	(xrf1) =	vsort.dscd.msk.f32 $0xffff, v24, v20;
	v27 =	vsel vm0, v12, v18;
	vm2 =	vlt.f32 v23, v21  }
0x93: {  	v20 =	vld.idx.msk [tilespmem:v11+s14+$0x0 ss:$0x1], $0xffff;
	v28 =	vsel vm2, v23, v21;
	v29 =	vsel vm2, v26, v27;
	v24 =	vsel vm2, v21, v23  }
0x94: {  	s5 =	simm.s32 $0x200;
	v21 =	vld.idx.msk [tilespmem:v10+s14+$0x0 ss:$0x1], $0xffff;
	v23 =	vsel vm1, v22, v25;
	v25 =	vsel vm2, v27, v26;
	v22 =	vimm.s32 $0x0;
	(xrf1) =	vsort.ascd.msk.f32 $0xffff, v28, v29  }
.LBB2_4:
0x95: {  	v16 =	vmul.f32 v16, v5  }
0x96: {  	p0 =	sne.s32 s5, $0x2780;
	v26 =	vld.idx.msk [tilespmem:v8+s14+$0x10 ss:$0x1], $0xffff;
	(xrf1) =	vsort.ascd.msk.f32 $0xffff, v24, v25;
	s31 =	smov.u32 s5;
	s5 =	sadd.s32 $0x80, s5;
	v12 =	vsel vm0, v18, v12;
	vm0 =	vlt.f32 v23, v17  }
0x97: {  	v14 =	vsel vm1, v14, v22;
	v13 =	vmul.f32 v13, v4;
	v24 =	vld.idx.msk [tilespmem:v8+s14+$0x0 ss:$0x1], $0xffff;
	v18 =	vsel vm0, v23, v17  }
0x98: {  	v22 =	vsel vm0, v14, v12;
	v12 =	vsel vm0, v12, v14;
	v17 =	vsel vm0, v17, v23  }
0x99: {  	v14 =	vmul.f32 v19, v6;
	(xrf1) =	vsort.ascd.msk.f32 $0xffff, v18, v22;
	v18 =	vmul.f32 v20, v6  }
0x9a: {  	(xrf1) =	vsort.ascd.msk.f32 $0xffff, v17, v12;
	v12 =	vmul.f32 v15, v5;
	v21 =	vmul.f32 v21, v4  }
0x9b: {  	v25 =	vmul.f32 v26, v3  }
0x9c: {  	v19, v20, _ =	vpop (xrf1);
	v12 =	vadd.f32 v12, v13;
	v13 =	vadd.f32 v16, v21;
	v21 =	vmul.f32 v24, v3  }
0x9d: {  	v15, v16, _ =	vpop (xrf1);
	v14 =	vadd.f32 v14, v25  }
0x9e: {  	s12 =	sadd.s32 $0x20, s12;
	v22 =	vld.idx.msk [tilespmem:v7+s14+$0x0 ss:$0x1], $0xffff;
	v17, v23, _ =	vpop (xrf1);
	_ =	sdelay $0x1  }
0x9f: {  	v18 =	vadd.f32 v18, v21;
	v13 =	vadd.f32 v13, v14;
	v24 =	vld.idx.msk [tilespmem:v7+s14+$0xFFFFFFF0 ss:$0x1], $0xffff  }
0xa0: {  	v14, v21, _ =	vpop (xrf1)  }
0xa1: {  	v12 =	vadd.f32 v12, v18;
	v13 =	vadd.f32 v13, v13;
	vm0 =	vlt.f32 v15, v14  }
0xa2: {  	v18 =	vsel vm0, v15, v14;
	v25 =	vsel vm0, v16, v21;
	v26, v27, _ =	vpop (xrf1)  }
0xa3: {  	v28 =	vadd.f32 v12, v12;
	v13 =	vsub.f32 v22, v13;
	v15 =	vsel vm0, v14, v15;
	v22, v14, _ =	vpop (xrf1)  }
0xa4: {  	v21 =	vsel vm0, v21, v16;
	vm0 =	vlt.f32 v17, v26;
	vm1 =	vlt.f32 v19, v22  }
0xa5: {  	v16 =	vor.u32 s12, v1;
	v24 =	vsub.f32 v24, v28;
	(xrf1) =	vsort.dscd.msk.f32 $0xffff, v18, v25;
	v14 =	vsel vm1, v20, v14  }
0xa6: {  	s14 =	sshra.s32 s31, $0x2;
	v20 =	vsel vm0, v17, v26;
	v25 =	vsel vm1, v19, v22;
	(xrf1) =	vsort.ascd.msk.f32 $0xffff, v13, v16;
	v19, v12, _ =	vpop (xrf1)  }
0xa7: {  	v18 =	vsel vm0, v23, v27;
	v16 =	vld.idx.msk [tilespmem:v9+s14+$0x0 ss:$0x1], $0xffff;
	(xrf1) =	vsort.dscd.msk.f32 $0xffff, v15, v21;
	vm0 =	vlt.f32 v20, v19;
	v23, v22, _ =	vpop (xrf1)  }
.Ltmp5:
0xa8: {  	v21 =	vor.u32 s12, v0;
	v13 =	vld.idx.msk [tilespmem:v10+s14+$0xFFFFFFF0 ss:$0x1], $0xffff;
	v17 =	vsel vm0, v20, v19;
	vm1 =	vlt.f32 v25, v23;
	(pc) =	sbr.rel @p0 .LBB2_4-.Ltmp5, $4  }
0xa9: {  	v26 =	vsel vm0, v19, v20;
	v15 =	vld.idx.msk [tilespmem:v9+s14+$0xFFFFFFF0 ss:$0x1], $0xffff;
	v27 =	vsel vm1, v23, v25;
	v28 =	vsel vm1, v22, v14  }
0xaa: {  	v29 =	vsel vm0, v12, v18;
	v19 =	vld.idx.msk [tilespmem:v11+s14+$0x10 ss:$0x1], $0xffff;
	(xrf1) =	vsort.dscd.msk.f32 $0xffff, v24, v21;
	vm2 =	vlt.f32 v27, v26  }
0xab: {  	v20 =	vld.idx.msk [tilespmem:v11+s14+$0x0 ss:$0x1], $0xffff;
	v30 =	vsel vm2, v27, v26;
	v31 =	vsel vm2, v28, v29;
	v24 =	vsel vm2, v26, v27  }
0xac: {  	v23 =	vsel vm1, v25, v23;
	v25 =	vsel vm2, v29, v28;
	v21 =	vld.idx.msk [tilespmem:v10+s14+$0x0 ss:$0x1], $0xffff;
	(xrf1) =	vsort.ascd.msk.f32 $0xffff, v30, v31  }
0xad: {  	_ =	sdelay $0x2  }
0xae: {  	(xrf1) =	vsort.ascd.msk.f32 $0xffff, v24, v25  }
0xaf: {  	v9 =	vsel vm0, v18, v12;
	v10 =	vsel vm1, v14, v22;
	vm10 =	vlt.f32 v23, v17;
	v11 =	vld.idx.msk [tilespmem:v8+s14+$0x10 ss:$0x1], $0xffff  }
0xb0: {  	v8 =	vld.idx.msk [tilespmem:v8+s14+$0x0 ss:$0x1], $0xffff;
	v12 =	vsel vm10, v23, v17;
	v14 =	vsel vm10, v10, v9  }
0xb1: {  	v9 =	vsel vm10, v9, v10;
	v10 =	vsel vm10, v17, v23;
	(xrf1) =	vsort.ascd.msk.f32 $0xffff, v12, v14  }
0xb2: {  	(xrf1) =	vsort.ascd.msk.f32 $0xffff, v10, v9;
	v9 =	vmul.f32 v16, v5;
	v10 =	vmul.f32 v19, v6  }
0xb3: {  	v6 =	vmul.f32 v20, v6;
	v12 =	vmul.f32 v21, v4  }
0xb4: {  	v5 =	vmul.f32 v15, v5;
	v11 =	vmul.f32 v11, v3  }
0xb5: {  	v4 =	vmul.f32 v13, v4;
	v3 =	vmul.f32 v8, v3;
	v9 =	vadd.f32 v9, v12  }
0xb6: {  	v8 =	vadd.f32 v10, v11  }
0xb7: {  	v13, v14, _ =	vpop (xrf1);
	v4 =	vadd.f32 v5, v4;
	v11 =	vld.idx.msk [tilespmem:v7+s14+$0x0 ss:$0x1], $0xffff;
	v3 =	vadd.f32 v6, v3  }
0xb8: {  	v7 =	vld.idx.msk [tilespmem:v7+s14+$0xFFFFFFF0 ss:$0x1], $0xffff;
	v5, v10, _ =	vpop (xrf1);
	v6 =	vadd.f32 v9, v8  }
0xb9: {  	v12, v15, _ =	vpop (xrf1);
	v3 =	vadd.f32 v4, v3  }
0xba: {  	v8, v9, _ =	vpop (xrf1);
	v4 =	vadd.f32 v6, v6  }
0xbb: {  	v3 =	vadd.f32 v3, v3;
	vm11 =	vlt.f32 v5, v8  }
0xbc: {  	v6 =	vsel vm11, v5, v8;
	v16 =	vsel vm11, v10, v9;
	v17, v18, _ =	vpop (xrf1);
	v4 =	vsub.f32 v11, v4  }
0xbd: {  	s5 =	sadd.s32 $0x20, s12;
	v5 =	vsel vm11, v8, v5;
	v9 =	vsel vm11, v9, v10;
	v3 =	vsub.f32 v7, v3;
	v8, v11, _ =	vpop (xrf1)  }
0xbe: {  	v7 =	vor.u32 s5, v1;
	vm12 =	vlt.f32 v12, v17;
	(xrf1) =	vsort.dscd.msk.f32 $0xffff, v6, v16;
	vm13 =	vlt.f32 v13, v8  }
0xbf: {  	(xrf1) =	vsort.ascd.msk.f32 $0xffff, v4, v7;
	v4 =	vsel vm12, v12, v17;
	v6 =	vsel vm13, v14, v11;
	v10, v11, _ =	vpop (xrf1)  }
0xc0: {  	v7 =	vsel vm13, v13, v8;
	v13 =	vsel vm12, v15, v18;
	(xrf1) =	vsort.dscd.msk.f32 $0xffff, v5, v9;
	v5 =	vor.u32 s5, v0;
	v8, v12, _ =	vpop (xrf1)  }
0xc1: {  	vm14 =	vlt.f32 v4, v10;
	(xrf1) =	vsort.dscd.msk.f32 $0xffff, v3, v5;
	vm1 =	vlt.f32 v7, v8  }
0xc2: {  	v9 =	vsel vm14, v10, v4;
	v16 =	vsel vm14, v11, v13;
	v14 =	vsel vm1, v8, v7  }
0xc3: {  	v15 =	vsel vm1, v12, v6;
	v6 =	vsel vm1, v6, v12;
	vm2 =	vlt.f32 v14, v9  }
0xc4: {  	v3 =	vsel vm2, v14, v9;
	v5 =	vsel vm2, v15, v16;
	v9 =	vsel vm2, v9, v14  }
0xc5: {  	(xrf1) =	vsort.ascd.msk.f32 $0xffff, v3, v5;
	v3 =	vsel vm14, v4, v10;
	v4 =	vsel vm1, v7, v8  }
0xc6: {  	v14 =	vsel vm2, v16, v15;
	v5 =	vsel vm14, v13, v11;
	vm15 =	vlt.f32 v4, v3  }
0xc7: {  	(xrf1) =	vsort.ascd.msk.f32 $0xffff, v9, v14;
	v7 =	vsel vm15, v4, v3;
	v8 =	vsel vm15, v6, v5  }
0xc8: {  	v5 =	vsel vm15, v5, v6;
	v3 =	vsel vm15, v3, v4;
	(xrf1) =	vsort.ascd.msk.f32 $0xffff, v7, v8  }
0xc9: {  	(xrf1) =	vsort.ascd.msk.f32 $0xffff, v3, v5;
	_ =	sdelay $0x4  }
0xca: {  	v3, v4, _ =	vpop (xrf1)  }
0xcb: {  	v5, v6, _ =	vpop (xrf1)  }
0xcc: {  	v7, v8, _ =	vpop (xrf1)  }
0xcd: {  	v9, v10, _ =	vpop (xrf1)  }
0xce: {  	vm4 =	vlt.f32 v5, v9  }
0xcf: {  	v14 =	vsel vm4, v6, v10;
	v6 =	vsel vm4, v10, v6  }
0xd0: {  	v13 =	vsel vm4, v5, v9;
	v5 =	vsel vm4, v9, v5;
	v11, v12, _ =	vpop (xrf1)  }
0xd1: {  	(xrf1) =	vsort.dscd.msk.f32 $0xffff, v13, v14;
	v15, v16, _ =	vpop (xrf1)  }
0xd2: {  	(xrf1) =	vsort.dscd.msk.f32 $0xffff, v5, v6;
	vm6 =	vlt.f32 v7, v11;
	vm5 =	vlt.f32 v3, v15;
	v9, v10, _ =	vpop (xrf1)  }
0xd3: {  	v7 =	vsel vm6, v7, v11;
	v8 =	vsel vm6, v8, v12;
	v3 =	vsel vm5, v3, v15;
	v5, v6, _ =	vpop (xrf1)  }
0xd4: {  	v4 =	vsel vm5, v4, v16;
	vm7 =	vlt.f32 v7, v9;
	vm8 =	vlt.f32 v3, v5  }
0xd5: {  	v11 =	vsel vm7, v7, v9;
	v7 =	vsel vm7, v9, v7;
	v13 =	vsel vm7, v10, v8  }
0xd6: {  	v8 =	vsel vm7, v8, v10;
	v9 =	vsel vm8, v5, v3;
	v12 =	vsel vm8, v6, v4  }
0xd7: {  	v3 =	vsel vm8, v3, v5;
	v4 =	vsel vm8, v4, v6;
	vm9 =	vlt.f32 v9, v7  }
0xd8: {  	vm10 =	vlt.f32 v3, v11;
	v14 =	vsel vm9, v9, v7;
	v15 =	vsel vm9, v12, v13  }
0xd9: {  	v7 =	vsel vm9, v7, v9;
	v5 =	vsel vm9, v13, v12;
	(xrf1) =	vsort.ascd.msk.f32 $0xffff, v14, v15  }
0xda: {  	v6 =	vsel vm10, v4, v8;
	(xrf1) =	vsort.ascd.msk.f32 $0xffff, v7, v5;
	v5 =	vsel vm10, v3, v11  }
0xdb: {  	v4 =	vsel vm10, v8, v4;
	v3 =	vsel vm10, v11, v3;
	(xrf1) =	vsort.ascd.msk.f32 $0xffff, v5, v6  }
0xdc: {  	(xrf1) =	vsort.ascd.msk.f32 $0xffff, v3, v4;
	_ =	sdelay $0x8  }
0xdd: {  	v3, v4, _ =	vpop (xrf1)  }
0xde: {  	v5, v6, _ =	vpop (xrf1)  }
0xdf: {  	v7, v8, _ =	vpop (xrf1)  }
0xe0: {  	v9, v10, _ =	vpop (xrf1)  }
0xe1: {  	vm11 =	vlt.f32 v5, v7;
	vm12 =	vlt.f32 v3, v9;
	v11, v12, _ =	vpop (xrf1)  }
0xe2: {  	v5 =	vsel vm11, v5, v7;
	v6 =	vsel vm11, v6, v8;
	v3 =	vsel vm12, v3, v9;
	v7, v9, _ =	vpop (xrf1)  }
0xe3: {  	v4 =	vsel vm12, v4, v10;
	vm13 =	vlt.f32 v5, v11;
	vm1 =	vlt.f32 v3, v7  }
0xe4: {  	v8 =	vsel vm13, v5, v11;
	v5 =	vsel vm13, v11, v5;
	v13 =	vsel vm13, v12, v6  }
0xe5: {  	v6 =	vsel vm13, v6, v12;
	v10 =	vsel vm1, v7, v3;
	v11 =	vsel vm1, v9, v4  }
0xe6: {  	v3 =	vsel vm1, v3, v7;
	v4 =	vsel vm1, v4, v9;
	vm14 =	vlt.f32 v10, v5  }
0xe7: {  	vm15 =	vlt.f32 v3, v8;
	v14 =	vsel vm14, v10, v5;
	v15 =	vsel vm14, v11, v13  }
0xe8: {  	v5 =	vsel vm14, v5, v10;
	v7 =	vsel vm14, v13, v11;
	(xrf1) =	vsort.ascd.msk.f32 $0xffff, v14, v15  }
0xe9: {  	(xrf1) =	vsort.ascd.msk.f32 $0xffff, v5, v7;
	v5 =	vsel vm15, v3, v8;
	v7 =	vsel vm15, v4, v6  }
0xea: {  	v4 =	vsel vm15, v6, v4;
	v3 =	vsel vm15, v8, v3;
	(xrf1) =	vsort.ascd.msk.f32 $0xffff, v5, v7  }
0xeb: {  	(xrf1) =	vsort.ascd.msk.f32 $0xffff, v3, v4;
	_ =	sdelay $0xa  }
0xec: {  	v3, v4, _ =	vpop (xrf1)  }
0xed: {  	v5, v6, _ =	vpop (xrf1)  }
0xee: {  	p0 =	seq.s32 s1, $0x0;
	v7, v8, _ =	vpop (xrf1)  }
0xef: {  	s5 =	simm.s32 @!p0 $0x2;
	v9, v10, _ =	vpop (xrf1)  }
0xf0: {  	_ =	swait.ge @!p0 [sflag:s5], $0x38  }
0xf1: {  	[sflag:s5] =	ssyncset.done @!p0 $0x0  }
0xf2: {  	[sflag:s5] =	ssyncadd.s32 @!p0 $0xFFFFFFC8  }
0xf3: {  	v7 =	vadd.f32 v7, v2;
	_ =	swait.ge @!p0 [sflag:s5], $0x38  }
0xf4: {  	[sflag:s5] =	ssyncset.done @!p0 $0x0  }
0xf5: {  	v7 =	vmax.f32 v7, $0.0e+00;
	[sflag:s5] =	ssyncadd.s32 @!p0 $0xFFFFFFC8  }
0xf6: {  	v11 =	vmul.f32 $-1.000000000e+01, v7;
	_ =	swait.ge @!p0 [sflag:s5], $0x40  }
0xf7: {  	v9 =	vadd.f32 v9, v2;
	[sflag:s5] =	ssyncset.done @!p0 $0x0  }
0xf8: {  	v11 =	vmul.f32 $1.442695020e+00, v11;
	[sflag:s5] =	ssyncadd.s32 @!p0 $0xFFFFFFC0  }
0xf9: {  	v3 =	vadd.f32 v3, v2;
	v9 =	vmax.f32 v9, $0.0e+00;
	_ =	swait.ge @!p0 [sflag:s5], $0x40  }
0xfa: {  	v12 =	vmul.f32 $-1.000000000e+01, v9;
	(erf) = vpow2.f32 v11  }
0xfb: {  	v3 =	vmax.f32 v3, $0.0e+00;
	[sflag:s5] =	ssyncset.done @!p0 $0x0  }
0xfc: {  	v2 =	vadd.f32 v5, v2;
	v5 =	vadd.s32 s11, v8;
	v11 =	vmul.f32 $1.442695020e+00, v12;
	[sflag:s5] =	ssyncadd.s32 @!p0 $0xFFFFFFC0  }
0xfd: {  	v12 =	vmul.f32 $-1.000000000e+01, v3;
	[tilespmem:$0xC840] =	vst v5;
	v5 =	vadd.s32 s11, v10  }
0xfe: {  	v2 =	vmax.f32 v2, $0.0e+00;
	(erf) = vpow2.f32 v11;
	[tilespmem:$0xC850] =	vst v5;
	v5 =	vadd.s32 s11, v4  }
0xff: {  	v11 =	vmul.f32 $1.442695020e+00, v12;
	v12 =	vmul.f32 $-1.000000000e+01, v2;
	[tilespmem:$0xC860] =	vst v5;
	v5 =	vadd.s32 s11, v6  }
0x100: {  	[tilespmem:$0xC870] =	vst v5  }
0x101: {  	v5 =	vmul.f32 $1.442695020e+00, v12;
	[tilespmem:s23], [sflag:$0x1] =	stream.indirect.gather [hbm4b:s2+s21], $0x40, s22, s21, $0xb8;
	[tilespmem:$0xD980] =	vst v63  }
0x102: {  	(erf) = vpow2.f32 v11;
	[tilespmem:$0xC880] =	vst v7  }
0x103: {  	[tilespmem:$0xC890] =	vst v9;
	v11 =	vpop (erf);
	(erf) = vpow2.f32 v5  }
0x104: {  	[tilespmem:$0xC8A0] =	vst v3;
	v5 =	vadd.s32 s10, v8  }
0x105: {  	v3 =	vadd.s32 s10, v4;
	[tilespmem:$0xC8B0] =	vst v2  }
0x106: {  	[tilespmem:$0xC820] =	vst v3  }
0x107: {  	[tilespmem:$0xC800] =	vst v5;
	v5 =	vpop (erf)  }
0x108: {  	v2 =	vadd.s32 s10, v6;
	[tilespmem:$0xC8D0] =	vst v5;
	v5 =	vadd.s32 s10, v10  }
0x109: {  	[tilespmem:$0xC830] =	vst v2  }
0x10a: {  	[tilespmem:$0xC8C0] =	vst v11  }
0x10b: {  	[tilespmem:$0xC810] =	vst v5;
	v5 =	vpop (erf)  }
0x10c: {  	[tilespmem:$0xC8E0] =	vst v5;
	v3 =	vpop (erf)  }
0x10d: {  	[tilespmem:$0xC8F0] =	vst v3  }
0x10e: {  	_ =	swait.ge [sflag:s24], $0x1000  }
0x10f: {  	[sflag:s24] =	ssyncset.done $0x0  }
0x110: {  	s10 =	simm.s32 $0xC9A0;
	[sflag:s24] =	ssyncadd.s32 $0xFFFFF000  }
0x111: {  	v10 =	vld [tilespmem:s10+$0x60]  }
0x112: {  	v6 =	vld [tilespmem:s10+$0x70]  }
0x113: {  	v7 =	vld [tilespmem:s10+$0x80]  }
0x114: {  	v12 =	vld [tilespmem:s10+$0x90]  }
0x115: {  	v9 =	vld [tilespmem:s10+$0x20]  }
0x116: {  	s31 =	simm.s32 $0x4;
	v8 =	vld [tilespmem:s10+$0x30]  }
0x117: {  	v2 =	vmov s31;
	v13 =	vld [tilespmem:s10+$0x40]  }
0x118: {  	s12 =	simm.s32 $0x3;
	v14 =	vld [tilespmem:s10+$0x50]  }
0x119: {  	s11 =	simm.s32 $0x0;
	v4 =	vmov s12;
	v17 =	vld [tilespmem:s10+$0xFFFFFFE0]  }
0x11a: {  	s14 =	simm.s32 $0x1;
	v3 =	vmov s11;
	v18 =	vld [tilespmem:s10+$0xFFFFFFF0]  }
0x11b: {  	v15 =	vmov s14;
	v19 =	vld [tilespmem:s10+$0x0]  }
0x11c: {  	s31 =	simm.s32 $0x2;
	v25 =	vld.idx.msk [tilespmem:v2+s25+$0x0], $0xffff  }
0x11d: {  	v2 =	vmov s31;
	v26 =	vld [tilespmem:s10+$0xFFFFFF60]  }
0x11e: {  	v24 =	vld.idx.msk [tilespmem:v4+s25+$0x0], $0xffff  }
0x11f: {  	v11 =	vld.idx.msk [tilespmem:v3+s25+$0x0], $0xffff  }
0x120: {  	v20 =	vimm.f32 $0.0e+00;
	v21 =	vimm.f32 $0.0e+00;
	v22 =	vld.idx.msk [tilespmem:v15+s25+$0x0], $0xffff  }
0x121: {  	v16 =	vimm.f32 $0.0e+00;
	v5 =	vimm.f32 $-Inf;
	v27 =	vld [tilespmem:s10+$0xFFFFFFA0];
	v4 =	vimm.f32 $-Inf  }
0x122: {  	s11 =	simm.s32 $0x9;
	v15 =	vimm.f32 $0.0e+00;
	v3 =	vimm.f32 $-Inf;
	v23 =	vld.idx.msk [tilespmem:v2+s25+$0x0], $0xffff;
	v2 =	vimm.f32 $-Inf  }
.LBB2_6:
0x123: {  	s5 =	sadd.s32 $0xFFFFFFFF, s11;
	v28 =	vmov s11;
	p0 =	sne.s32 s11, $0x31;
	v29 =	vld [tilespmem:s10+$0x10];
	v30 =	vmul.f32 v10, v25  }
0x124: {  	s12 =	sadd.s32 $0xFFFFFFFE, s11;
	v26 =	vmul.f32 v26, v11;
	v32 =	vmul.f32 v6, v25;
	v31 =	vmov s5;
	v10 =	vld [tilespmem:s10+$0xFFFFFF70]  }
0x125: {  	v35 =	vmul.f32 v7, v25;
	v36 =	vmul.f32 v12, v25;
	v33 =	vmov s12;
	v34 =	vld [tilespmem:s10+$0xFFFFFFB0]  }
0x126: {  	s5 =	sadd.s32 $0xFFFFFFFD, s11;
	v25 =	vmul.f32 v9, v24;
	v6 =	vadd.f32 v26, v21;
	v21 =	vmul.f32 v27, v22;
	v7 =	vld [tilespmem:s10+$0xFFFFFFC0]  }
0x127: {  	v37 =	vmul.f32 v8, v24;
	v38 =	vmul.f32 v13, v24;
	v27 =	vmov s5;
	v9 =	vld [tilespmem:s10+$0xFFFFFFD0]  }
0x128: {  	v24 =	vmul.f32 v14, v24;
	s5 =	sadd.s32 $0xFFFFFFFC, s11;
	v13 =	vmul.f32 v17, v23;
	v8 =	vld [tilespmem:s10+$0xFFFFFF80];
	v6 =	vadd.f32 v21, v6  }
0x129: {  	v39 =	vmov s5;
	v18 =	vmul.f32 v18, v23;
	v14 =	vmul.f32 v10, v11;
	v17 =	vld [tilespmem:s10+$0xFFFFFF90];
	s10 =	sadd.s32 $0x140, s10  }
0x12a: {  	v40 =	vmul.f32 v19, v23;
	v23 =	vmul.f32 v29, v23;
	v10 =	vld [tilespmem:s10+$0x60];
	v12 =	vadd.f32 v13, v6  }
0x12b: {  	v6 =	vld [tilespmem:s10+$0x70];
	v19 =	vadd.f32 v14, v20;
	v20 =	vmul.f32 v34, v22;
	v29 =	vmul.f32 v7, v22  }
0x12c: {  	v5 =	vmax.f32 v5, v26;
	v7 =	vld [tilespmem:s10+$0x80];
	v22 =	vmul.f32 v9, v22;
	v26 =	vadd.f32 v25, v12  }
0x12d: {  	v5 =	vmax.f32 v5, v21;
	v12 =	vld [tilespmem:s10+$0x90];
	v34 =	vmul.f32 v8, v11;
	v19 =	vadd.f32 v20, v19  }
0x12e: {  	v5 =	vmax.f32 v5, v13;
	v9 =	vld [tilespmem:s10+$0x20];
	v11 =	vmul.f32 v17, v11;
	v21 =	vadd.f32 v30, v26  }
0x12f: {  	v4 =	vmax.f32 v4, v14;
	v8 =	vld [tilespmem:s10+$0x30];
	v16 =	vadd.f32 v34, v16;
	v17 =	vadd.f32 v18, v19  }
0x130: {  	v5 =	vmax.f32 v5, v25;
	v4 =	vmax.f32 v4, v20;
	v13 =	vld [tilespmem:s10+$0x40];
	v15 =	vadd.f32 v11, v15  }
0x131: {  	v4 =	vmax.f32 v4, v18;
	v14 =	vld [tilespmem:s10+$0x50];
	v16 =	vadd.f32 v29, v16;
	v19 =	vadd.f32 v37, v17  }
0x132: {  	v5 =	vmax.f32 v5, v30;
	v4 =	vmax.f32 v4, v37;
	v17 =	vld [tilespmem:s10+$0xFFFFFFE0];
	v15 =	vadd.f32 v22, v15  }
0x133: {  	v4 =	vmax.f32 v4, v32;
	v18 =	vld [tilespmem:s10+$0xFFFFFFF0];
	v16 =	vadd.f32 v40, v16;
	v20 =	vadd.f32 v32, v19  }
0x134: {  	v3 =	vmax.f32 v3, v34;
	v2 =	vmax.f32 v2, v11;
	v19 =	vld [tilespmem:s10+$0x0];
	v11 =	vadd.f32 v23, v15  }
0x135: {  	v3 =	vmax.f32 v3, v29;
	v2 =	vmax.f32 v2, v22;
	v25 =	vld.idx.msk [tilespmem:v28+s25+$0x0], $0xffff;
	v15 =	vadd.f32 v38, v16  }
0x136: {  	v3 =	vmax.f32 v3, v40;
	v2 =	vmax.f32 v2, v23;
	v26 =	vld [tilespmem:s10+$0xFFFFFF60];
	v22 =	vadd.f32 v24, v11  }
.Ltmp6:
0x137: {  	v3 =	vmax.f32 v3, v38;
	v2 =	vmax.f32 v2, v24;
	v11 =	vld.idx.msk [tilespmem:v39+s25+$0x0], $0xffff;
	v16 =	vadd.f32 v35, v15;
	(pc) =	sbr.rel @p0 .LBB2_6-.Ltmp6, $4  }
0x138: {  	v3 =	vmax.f32 v3, v35;
	v2 =	vmax.f32 v2, v36;
	v24 =	vld.idx.msk [tilespmem:v31+s25+$0x0], $0xffff;
	v15 =	vadd.f32 v36, v22  }
0x139: {  	v22 =	vld.idx.msk [tilespmem:v27+s25+$0x0], $0xffff  }
0x13a: {  	v27 =	vld [tilespmem:s10+$0xFFFFFFA0]  }
0x13b: {  	s11 =	sadd.s32 $0x5, s11;
	v23 =	vld.idx.msk [tilespmem:v33+s25+$0x0], $0xffff  }
0x13c: {  	v28 =	vld [tilespmem:s10+$0x10]  }
0x13d: {  	v29 =	vld [tilespmem:s10+$0xFFFFFF70]  }
0x13e: {  	v10 =	vmul.f32 v10, v25;
	v26 =	vmul.f32 v26, v11;
	v30 =	vld [tilespmem:s10+$0xFFFFFFB0]  }
0x13f: {  	v6 =	vmul.f32 v6, v25;
	v7 =	vmul.f32 v7, v25;
	v50 =	vld [tilespmem:s10+$0xFFFFFFC0]  }
0x140: {  	v12 =	vmul.f32 v12, v25;
	v31 =	vld [tilespmem:s10+$0xFFFFFF80];
	v9 =	vmul.f32 v9, v24  }
0x141: {  	v32 =	vld [tilespmem:s10+$0xFFFFFFD0];
	v8 =	vmul.f32 v8, v24;
	v13 =	vmul.f32 v13, v24  }
0x142: {  	v52 =	vld [tilespmem:s10+$0xFFFFFF90];
	v14 =	vmul.f32 v14, v24;
	v27 =	vmul.f32 v27, v22  }
0x143: {  	v17 =	vmul.f32 v17, v23;
	v18 =	vmul.f32 v18, v23  }
0x144: {  	v21 =	vadd.f32 v26, v21;
	v19 =	vmul.f32 v19, v23;
	v51 =	vmul.f32 v29, v11  }
0x145: {  	v5 =	vmax.f32 v5, v26;
	v30 =	vmul.f32 v30, v22;
	v53 =	vmul.f32 v28, v23  }
0x146: {  	v21 =	vadd.f32 v27, v21;
	v54 =	vmul.f32 v31, v11;
	v25 =	vmul.f32 v50, v22  }
0x147: {  	v55 =	vmul.f32 v32, v22;
	v56 =	vmul.f32 v52, v11;
	v5 =	vmax.f32 v5, v27  }
0x148: {  	v5 =	vmax.f32 v5, v17;
	v20 =	vadd.f32 v51, v20;
	v21 =	vadd.f32 v17, v21  }
0x149: {  	v16 =	vadd.f32 v54, v16;
	v15 =	vadd.f32 v56, v15;
	v4 =	vmax.f32 v4, v51  }
0x14a: {  	v5 =	vmax.f32 v5, v9;
	v3 =	vmax.f32 v3, v54;
	v2 =	vmax.f32 v2, v56  }
0x14b: {  	v4 =	vmax.f32 v4, v30;
	v5 =	vmax.f32 v5, v10;
	v3 =	vmax.f32 v3, v25  }
0x14c: {  	v2 =	vmax.f32 v2, v55;
	v20 =	vadd.f32 v30, v20;
	v21 =	vadd.f32 v9, v21  }
0x14d: {  	v16 =	vadd.f32 v25, v16;
	v15 =	vadd.f32 v55, v15;
	v4 =	vmax.f32 v4, v18  }
0x14e: {  	v3 =	vmax.f32 v3, v19;
	v2 =	vmax.f32 v2, v53;
	v20 =	vadd.f32 v18, v20  }
0x14f: {  	v4 =	vmax.f32 v4, v8;
	v3 =	vmax.f32 v3, v13;
	v16 =	vadd.f32 v19, v16  }
0x150: {  	v2 =	vmax.f32 v2, v14;
	v15 =	vadd.f32 v53, v15;
	v20 =	vadd.f32 v8, v20  }
0x151: {  	[tilespmem:$0xD940] =	vst v5;
	v57 =	vadd.f32 v10, v21;
	v4 =	vmax.f32 v4, v6;
	v16 =	vadd.f32 v13, v16  }
0x152: {  	v3 =	vmax.f32 v3, v7;
	[tilespmem:$0xD950] =	vst v4;
	v59 =	vadd.f32 v14, v15;
	v58 =	vadd.f32 v6, v20  }
0x153: {  	v2 =	vmax.f32 v2, v12;
	[tilespmem:$0xD960] =	vst v3;
	v17 =	vmul.f32 $1.999999960e-02, v57;
	v60 =	vadd.f32 v7, v16  }
0x154: {  	[tilespmem:$0xD970] =	vst v2;
	v61 =	vadd.f32 v12, v59;
	v9 =	vmul.f32 $1.999999960e-02, v58  }
0x155: {  	[tilespmem:$0xD900] =	vst v17;
	v62 =	vmul.f32 $1.999999960e-02, v60  }
0x156: {  	s5 =	smul.u32 $0x7, s9;
	v63 =	vmul.f32 $1.999999960e-02, v61;
	[tilespmem:$0xD910] =	vst v9  }
0x157: {  	[tilespmem:$0xD920] =	vst v62  }
0x158: {  	s14 =	sadd.s32 s3, s5;
	[tilespmem:$0xD930] =	vst v63  }
0x159: {  	[hbm4b:s14+s4] =	stream.linear.scatter [tilespmem:s26], [sflag:$0x2], $0x38, $0x38;
	[tilespmem:$0xD980] =	vst v63  }
0x15a: {  	s5 =	sadd.s32 s6, s5  }
0x15b: {  	[hbm4b:s5+s4] =	stream.linear.scatter [tilespmem:s28], [sflag:$0x2], $0x38, $0x38;
	[tilespmem:$0xD980] =	vst v63  }
.Ltmp7:
0x15c: {  	s31 =	sshll.u32 s9, $0x3;
	(pc) =	sbr.rel .LBB2_8-.Ltmp7, $4  }
0x15d: {  	s9 =	sadd.s32 s7, s31  }
0x15e: {  	[hbm4b:s9+s4] =	stream.linear.scatter [tilespmem:s29], [sflag:$0x2], $0x40, $0x38;
	[tilespmem:$0xD980] =	vst v63  }
0x15f: {  	s5 =	sadd.s32 s8, s31  }
0x160: {  	[hbm4b:s5+s4] =	stream.linear.scatter [tilespmem:s30], [sflag:$0x2], $0x40, $0x38;
	[tilespmem:$0xD980] =	vst v63  }
.LBB2_10:
0x161: {  	_ =	sfence.sel $0x180000  }
0x162: {  	[bflag:$0x0] =	sbarrier.arrive $0xFFFF  }
0x163: {  	_ =	strace $0x90000047  }
0x164: {  	s0 =	stileid.u32;
	[bflag:$0x2] =	sbarrier.arrive $0xFFFF  }
0x165: {  	p0 =	sne.s32 s0, $0x0;
	s0 =	rddreg [dreg:$0x4]  }
0x166: {  	s0 =	sadd.s32 @!p0 $0x100000, s0  }
0x167: {  	[sflag:s0] =	ssyncadd.tile.s32 @!p0 $0x1;
	_ =	shalt  }
.Lfunc_end2:
_tile_overlayer_lowered:
.L_overlay_start_2:
0x168: {  	(tag) =	ssettag $0x2  }
0x169: {  	s0 =	rddreg [dreg:$0x0];
	s2 =	stileid.u32  }
0x16a: {  	s1 =	rddreg [dreg:$0x1];
	p0 =	sne.s32 s2, $0x0  }
0x16b: {  	s3 =	rddreg [dreg:$0x2];
	[bflag:$0x3] =	sbarrier.arrive $0xFFFF;
	s2 =	simm.s32 @!p0 $0x1C03  }
0x16c: {  	[timem:s3], [sflag:s2] =	dma.local @!p0 [hbm:s0], s1  }
0x16d: {  	s0 =	simm.s32 @!p0 $0x3  }
0x16e: {  	_ =	swait.ge @!p0 [sflag:s0], s1  }
0x16f: {  	s1 =	ssub.s32 @!p0 $0x0, s1;
	[sflag:s0] =	ssyncset.done @!p0 $0x0  }
0x170: {  	[sflag:s0] =	ssyncadd.s32 @!p0 s1  }
0x171: {  	[bflag:$0x3] =	sbarrier.arrive $0xFFFF  }
0x172: {  	_ =	shalt  }

</sc_bundles>
